<compile_context>
chip_gen: v7x
topology: tpu7x:2x2x1
jax: 0.10.2.dev20260603
libtpu: 0.0.44.dev20260713+nightly
codegen_flags: <defaults>
</compile_context>

<pallas_src>
import functools

import jax
import jax.numpy as jnp
from jax import lax
from jax.experimental import pallas as pl
from jax.experimental.pallas import tpu as pltpu
from jax.experimental.pallas import tpu_sc as plsc

B = 16384
D = 128
NC = 2
NS = 16
L = 16
NW = NC * NS
BPW = B // NW
C = 64
NG = BPW // C
NBUF = 2
U = 2

_BITREV4 = [int(f"{e:04b}"[::-1], 2) for e in range(L)]
_HS = (8, 4, 2, 1)


def _bpr_body(uid_hbm, pid_hbm, nid_hbm, utab_hbm, itab_hbm,
              pos_hbm, neg_hbm,
              idx_u, idx_p, idx_n, u_rows, p_rows, n_rows,
              part_p, part_n, pos_v, neg_v,
              sem_i, sem_0, sem_1):
    cid = lax.axis_index("c")
    sid = lax.axis_index("s")
    wid = sid * NC + cid
    base = wid * BPW

    sems = (sem_0, sem_1)

    def start_u(g, b):
        return pltpu.async_copy(utab_hbm.at[idx_u.at[pl.ds(g * C, C)]],
                                u_rows.at[b], sems[b])

    def start_pn(g, b):
        return (
            pltpu.async_copy(itab_hbm.at[idx_p.at[pl.ds(g * C, C)]],
                             p_rows.at[b], sems[b]),
            pltpu.async_copy(itab_hbm.at[idx_n.at[pl.ds(g * C, C)]],
                             n_rows.at[b], sems[b]),
        )

    cp_u = pltpu.async_copy(uid_hbm.at[pl.ds(base, BPW)], idx_u, sem_i)
    cp_p = pltpu.async_copy(pid_hbm.at[pl.ds(base, BPW)], idx_p, sem_i)
    cp_n = pltpu.async_copy(nid_hbm.at[pl.ds(base, BPW)], idx_n, sem_i)
    cp_u.wait()
    for g in range(NBUF):
        start_u(g, g)
    cp_p.wait()
    cp_n.wait()
    for g in range(NBUF):
        start_pn(g, g)

    lane = lax.iota(jnp.int32, L)
    dnums = lax.GatherDimensionNumbers(
        offset_dims=(), collapsed_slice_dims=(0,), start_index_map=(0,))

    def take16(v, idx):
        return lax.gather(v, idx[:, None], dnums, slice_sizes=(1,),
                          mode=lax.GatherScatterMode.PROMISE_IN_BOUNDS)

    def combine(a, b, h):
        clear = (lane & h) == 0
        x = jnp.where(clear, a, b)
        y = jnp.where(clear, b, a)
        return x + take16(y, lane ^ h)

    def compute(g, b):
        def rows_body(i, carry):
            for k in range(U):
                row = i * U + k
                u = [u_rows[b, row, pl.ds(j * L, L)] for j in range(D // L)]
                p = [p_rows[b, row, pl.ds(j * L, L)] for j in range(D // L)]
                nn = [n_rows[b, row, pl.ds(j * L, L)] for j in range(D // L)]
                up = [a * c for a, c in zip(u, p)]
                un = [a * c for a, c in zip(u, nn)]
                accp = (((up[0] + up[1]) + (up[2] + up[3]))
                        + ((up[4] + up[5]) + (up[6] + up[7])))
                accn = (((un[0] + un[1]) + (un[2] + un[3]))
                        + ((un[4] + un[5]) + (un[6] + un[7])))
                part_p[pl.ds(row * L, L)] = accp
                part_n[pl.ds(row * L, L)] = accn
            return carry

        lax.fori_loop(0, C // U, rows_body, 0)

        def grp_body(grp, carry):
            base_row = grp * L
            for part, out in ((part_p, pos_v), (part_n, neg_v)):
                stk = []
                for e in _BITREV4:
                    vec = part[pl.ds((base_row + e) * L, L)]
                    lvl = 0
                    while stk and stk[-1][0] == lvl:
                        _, left = stk.pop()
                        vec = combine(left, vec, _HS[lvl])
                        lvl += 1
                    stk.append((lvl, vec))
                out[pl.ds(g * C + base_row, L)] = stk[0][1]
            return carry

        lax.fori_loop(0, C // L, grp_body, 0)

    def outer(g, carry):
        bt = lax.rem(g, NBUF)
        for b in range(NBUF):
            @pl.when(bt == b)
            def _wait():
                pltpu.make_async_copy(utab_hbm.at[pl.ds(0, C)],
                                      u_rows.at[b], sems[b]).wait()
                pltpu.make_async_copy(itab_hbm.at[pl.ds(0, C)],
                                      p_rows.at[b], sems[b]).wait()
                pltpu.make_async_copy(itab_hbm.at[pl.ds(0, C)],
                                      n_rows.at[b], sems[b]).wait()

        compute(g, bt)

        @pl.when(g < NG - NBUF)
        def _prefetch():
            g2 = g + NBUF
            for b in range(NBUF):
                @pl.when(bt == b)
                def _start():
                    start_u(g2, b)
                    start_pn(g2, b)
        return carry

    lax.fori_loop(0, NG, outer, 0)

    cp_op = pltpu.async_copy(pos_v, pos_hbm.at[pl.ds(base, BPW)], sem_i)
    cp_on = pltpu.async_copy(neg_v, neg_hbm.at[pl.ds(base, BPW)], sem_i)
    cp_op.wait()
    cp_on.wait()


@jax.jit
def _bpr(uid, pid, nid, user_table, item_table):
    mesh = plsc.VectorSubcoreMesh(core_axis_name="c", subcore_axis_name="s")
    run = functools.partial(
        pl.kernel,
        out_type=(
            jax.ShapeDtypeStruct((B,), jnp.float32),
            jax.ShapeDtypeStruct((B,), jnp.float32),
        ),
        mesh=mesh,
        scratch_types=(
            pltpu.VMEM((BPW,), jnp.int32),
            pltpu.VMEM((BPW,), jnp.int32),
            pltpu.VMEM((BPW,), jnp.int32),
            pltpu.VMEM((NBUF, C, D), jnp.float32),
            pltpu.VMEM((NBUF, C, D), jnp.float32),
            pltpu.VMEM((NBUF, C, D), jnp.float32),
            pltpu.VMEM((C * L,), jnp.float32),
            pltpu.VMEM((C * L,), jnp.float32),
            pltpu.VMEM((BPW,), jnp.float32),
            pltpu.VMEM((BPW,), jnp.float32),
            pltpu.SemaphoreType.DMA,
            pltpu.SemaphoreType.DMA,
            pltpu.SemaphoreType.DMA,
        ),
    )(_bpr_body)
    return run(uid, pid, nid, user_table, item_table)


def kernel(userId, itemId, neg_itemId, user_table, item_table):
    return _bpr(userId, itemId, neg_itemId, user_table, item_table)

# --- scband reference (transcript-rebuilt; emitter-appended) ---
"""Pipeline reference for scband-bpr-15023795601800 (READ-ONLY COPY).

The authoritative reference and input builder live on the scoring server;
editing this copy changes nothing except your own understanding.
"""

import jax, jax.numpy as jnp
import numpy as np

N_USERS = 100000
N_ITEMS = 100000
EMBED_DIM = 128
BATCH = 16384

def setup_inputs(seed: int = 0) -> dict:
    key = jax.random.key(seed)
    k1, k2, k3, k4, k5 = jax.random.split(key, 5)
    userId = jax.random.randint(k1, (BATCH,), 0, N_USERS, dtype=jnp.int64 if jax.config.jax_enable_x64 else jnp.int32).astype(jnp.int32)
    itemId = jax.random.randint(k2, (BATCH,), 0, N_ITEMS).astype(jnp.int32)
    neg_itemId = jax.random.randint(k3, (BATCH,), 0, N_ITEMS).astype(jnp.int32)
    # xavier_normal-style init: std = sqrt(2/(fan_in+fan_out))
    u_std = float(np.sqrt(2.0 / (N_USERS + EMBED_DIM)))
    i_std = float(np.sqrt(2.0 / (N_ITEMS + EMBED_DIM)))
    user_table = jax.random.normal(k4, (N_USERS, EMBED_DIM), dtype=jnp.float32) * u_std
    item_table = jax.random.normal(k5, (N_ITEMS, EMBED_DIM), dtype=jnp.float32) * i_std
    return {
        'userId': userId,
        'itemId': itemId,
        'neg_itemId': neg_itemId,
        'user_table': user_table,
        'item_table': item_table,
    }

def reference(userId, itemId, neg_itemId, user_table, item_table):
    # BPR.forward: gather embeddings, elementwise-mul, sum over embedding dim
    user_e = jnp.take(user_table, userId, axis=0)      # [B, D]
    pos_e = jnp.take(item_table, itemId, axis=0)       # [B, D]
    neg_e = jnp.take(item_table, neg_itemId, axis=0)   # [B, D]
    pos_item_score = jnp.sum(user_e * pos_e, axis=1)   # [B]
    neg_item_score = jnp.sum(user_e * neg_e, axis=1)   # [B]
    return (pos_item_score, neg_item_score)

if __name__ == "__main__":
    import jax
    _d = setup_inputs()
    print(jax.jit(kernel)(*tuple(_d.values())))

</pallas_src>

<mosaic_0001>
#map = affine_map<(d0, d1) -> (0)>
#map1 = affine_map<(d0, d1) -> (0, 0)>
module attributes {stable_mosaic.version = 14 : i64} {
  func.func @_bpr_body(%arg0: i32, %arg1: i32, %arg2: memref<16384xi32, #tpu.memory_space<hbm>>, %arg3: memref<16384xi32, #tpu.memory_space<hbm>>, %arg4: memref<16384xi32, #tpu.memory_space<hbm>>, %arg5: memref<100000x128xf32, #tpu.memory_space<hbm>>, %arg6: memref<100000x128xf32, #tpu.memory_space<hbm>>, %arg7: memref<16384xf32, #tpu.memory_space<hbm>>, %arg8: memref<16384xf32, #tpu.memory_space<hbm>>, %arg9: memref<512xi32, #tpu.memory_space<vmem>>, %arg10: memref<512xi32, #tpu.memory_space<vmem>>, %arg11: memref<512xi32, #tpu.memory_space<vmem>>, %arg12: memref<2x64x128xf32, #tpu.memory_space<vmem>>, %arg13: memref<2x64x128xf32, #tpu.memory_space<vmem>>, %arg14: memref<2x64x128xf32, #tpu.memory_space<vmem>>, %arg15: memref<1024xf32, #tpu.memory_space<vmem>>, %arg16: memref<1024xf32, #tpu.memory_space<vmem>>, %arg17: memref<512xf32, #tpu.memory_space<vmem>>, %arg18: memref<512xf32, #tpu.memory_space<vmem>>, %arg19: memref<!tpu.dma_semaphore, #tpu.memory_space<semaphore_mem>>, %arg20: memref<!tpu.dma_semaphore, #tpu.memory_space<semaphore_mem>>, %arg21: memref<!tpu.dma_semaphore, #tpu.memory_space<semaphore_mem>>) attributes {dimension_semantics = [#tpu.dimension_semantics<core_parallel>, #tpu.dimension_semantics<subcore_parallel>], iteration_bounds = array<i64: 2, 16>, scalar_prefetch = 0 : i64, scratch_operands = 13 : i64, tpu.core_type = #tpu.core_type<sc_vector_subcore>, window_params = [{transform_indices = #map}, {transform_indices = #map}, {transform_indices = #map}, {transform_indices = #map1}, {transform_indices = #map1}, {transform_indices = #map}, {transform_indices = #map}]} {
    %mul3A = arith.constant 2 : i32
    %mul3A_0 = arith.muli %arg1, %mul3A : i32
    %add3A = arith.addi %mul3A_0, %arg0 : i32
    %mul3A_1 = arith.constant 512 : i32
    %mul3A_2 = arith.muli %add3A, %mul3A_1 : i32
    %dma_start3A = tpu.memref_slice %arg2[%mul3A_2] : memref<16384xi32, #tpu.memory_space<hbm>> -> memref<512xi32, #tpu.memory_space<hbm>>
    %dma_start3A_3 = tpu.memref_slice %arg2[%mul3A_2] : memref<16384xi32, #tpu.memory_space<hbm>> -> memref<512xi32, #tpu.memory_space<hbm>>
    tpu.enqueue_dma source(%dma_start3A_3 : memref<512xi32, #tpu.memory_space<hbm>>) target(%arg9 : memref<512xi32, #tpu.memory_space<vmem>>) target_semaphore(%arg19 : memref<!tpu.dma_semaphore, #tpu.memory_space<semaphore_mem>>)
    %dma_start3A_4 = tpu.memref_slice %arg3[%mul3A_2] : memref<16384xi32, #tpu.memory_space<hbm>> -> memref<512xi32, #tpu.memory_space<hbm>>
    %dma_start3A_5 = tpu.memref_slice %arg3[%mul3A_2] : memref<16384xi32, #tpu.memory_space<hbm>> -> memref<512xi32, #tpu.memory_space<hbm>>
    tpu.enqueue_dma source(%dma_start3A_5 : memref<512xi32, #tpu.memory_space<hbm>>) target(%arg10 : memref<512xi32, #tpu.memory_space<vmem>>) target_semaphore(%arg19 : memref<!tpu.dma_semaphore, #tpu.memory_space<semaphore_mem>>)
    %dma_start3A_6 = tpu.memref_slice %arg4[%mul3A_2] : memref<16384xi32, #tpu.memory_space<hbm>> -> memref<512xi32, #tpu.memory_space<hbm>>
    %dma_start3A_7 = tpu.memref_slice %arg4[%mul3A_2] : memref<16384xi32, #tpu.memory_space<hbm>> -> memref<512xi32, #tpu.memory_space<hbm>>
    tpu.enqueue_dma source(%dma_start3A_7 : memref<512xi32, #tpu.memory_space<hbm>>) target(%arg11 : memref<512xi32, #tpu.memory_space<vmem>>) target_semaphore(%arg19 : memref<!tpu.dma_semaphore, #tpu.memory_space<semaphore_mem>>)
    %dma_wait3A = tpu.memref_slice %arg2[%mul3A_2] : memref<16384xi32, #tpu.memory_space<hbm>> -> memref<512xi32, #tpu.memory_space<hbm>>
    %dma_wait3A_8 = tpu.memref_slice %arg2[%mul3A_2] : memref<16384xi32, #tpu.memory_space<hbm>> -> memref<512xi32, #tpu.memory_space<hbm>>
    tpu.wait_dma2 semaphore(%arg19 : memref<!tpu.dma_semaphore, #tpu.memory_space<semaphore_mem>>) src(%dma_wait3A_8 : memref<512xi32, #tpu.memory_space<hbm>>) dst(%arg9 : memref<512xi32, #tpu.memory_space<vmem>>)
    %dma_start3A_9 = arith.constant 0 : i32
    %dma_start3A_10 = arith.constant 0 : i32
    %dma_start3A_11 = arith.constant 0 : i32
    %dma_start3A_12 = tpu.memref_slice %arg12[%dma_start3A_9, %dma_start3A_10, %dma_start3A_11] : memref<2x64x128xf32, #tpu.memory_space<vmem>> -> memref<1x64x128xf32, #tpu.memory_space<vmem>>
    %dma_start3A_13 = tpu.memref_squeeze %dma_start3A_12 : memref<1x64x128xf32, #tpu.memory_space<vmem>> -> memref<64x128xf32, #tpu.memory_space<vmem>>
    %dma_start3A_14 = arith.constant 0 : i32
    %dma_start3A_15 = tpu.memref_slice %arg9[%dma_start3A_14] : memref<512xi32, #tpu.memory_space<vmem>> -> memref<64xi32, #tpu.memory_space<vmem>>
    %dma_start3A_16 = arith.constant 0 : i32
    %dma_start3A_17 = arith.constant 0 : i32
    %dma_start3A_18 = tpu.memref_slice %arg5[%dma_start3A_16, %dma_start3A_17] : memref<100000x128xf32, #tpu.memory_space<hbm>> -> memref<100000x128xf32, #tpu.memory_space<hbm>>
    tpu.enqueue_indirect_dma source(%dma_start3A_18 : memref<100000x128xf32, #tpu.memory_space<hbm>>) target(%dma_start3A_13 : memref<64x128xf32, #tpu.memory_space<vmem>>) offsets(%dma_start3A_15 : memref<64xi32, #tpu.memory_space<vmem>>) semaphore(%arg20 : memref<!tpu.dma_semaphore, #tpu.memory_space<semaphore_mem>>)
    %dma_start3A_19 = arith.constant 1 : i32
    %dma_start3A_20 = arith.constant 0 : i32
    %dma_start3A_21 = arith.constant 0 : i32
    %dma_start3A_22 = tpu.memref_slice %arg12[%dma_start3A_19, %dma_start3A_20, %dma_start3A_21] : memref<2x64x128xf32, #tpu.memory_space<vmem>> -> memref<1x64x128xf32, #tpu.memory_space<vmem>>
    %dma_start3A_23 = tpu.memref_squeeze %dma_start3A_22 : memref<1x64x128xf32, #tpu.memory_space<vmem>> -> memref<64x128xf32, #tpu.memory_space<vmem>>
    %dma_start3A_24 = arith.constant 64 : i32
    %dma_start3A_25 = tpu.memref_slice %arg9[%dma_start3A_24] : memref<512xi32, #tpu.memory_space<vmem>> -> memref<64xi32, #tpu.memory_space<vmem>>
    %dma_start3A_26 = arith.constant 0 : i32
    %dma_start3A_27 = arith.constant 0 : i32
    %dma_start3A_28 = tpu.memref_slice %arg5[%dma_start3A_26, %dma_start3A_27] : memref<100000x128xf32, #tpu.memory_space<hbm>> -> memref<100000x128xf32, #tpu.memory_space<hbm>>
    tpu.enqueue_indirect_dma source(%dma_start3A_28 : memref<100000x128xf32, #tpu.memory_space<hbm>>) target(%dma_start3A_23 : memref<64x128xf32, #tpu.memory_space<vmem>>) offsets(%dma_start3A_25 : memref<64xi32, #tpu.memory_space<vmem>>) semaphore(%arg21 : memref<!tpu.dma_semaphore, #tpu.memory_space<semaphore_mem>>)
    %dma_wait3A_29 = tpu.memref_slice %arg3[%mul3A_2] : memref<16384xi32, #tpu.memory_space<hbm>> -> memref<512xi32, #tpu.memory_space<hbm>>
    %dma_wait3A_30 = tpu.memref_slice %arg3[%mul3A_2] : memref<16384xi32, #tpu.memory_space<hbm>> -> memref<512xi32, #tpu.memory_space<hbm>>
    tpu.wait_dma2 semaphore(%arg19 : memref<!tpu.dma_semaphore, #tpu.memory_space<semaphore_mem>>) src(%dma_wait3A_30 : memref<512xi32, #tpu.memory_space<hbm>>) dst(%arg10 : memref<512xi32, #tpu.memory_space<vmem>>)
    %dma_wait3A_31 = tpu.memref_slice %arg4[%mul3A_2] : memref<16384xi32, #tpu.memory_space<hbm>> -> memref<512xi32, #tpu.memory_space<hbm>>
    %dma_wait3A_32 = tpu.memref_slice %arg4[%mul3A_2] : memref<16384xi32, #tpu.memory_space<hbm>> -> memref<512xi32, #tpu.memory_space<hbm>>
    tpu.wait_dma2 semaphore(%arg19 : memref<!tpu.dma_semaphore, #tpu.memory_space<semaphore_mem>>) src(%dma_wait3A_32 : memref<512xi32, #tpu.memory_space<hbm>>) dst(%arg11 : memref<512xi32, #tpu.memory_space<vmem>>)
    %dma_start3A_33 = arith.constant 0 : i32
    %dma_start3A_34 = arith.constant 0 : i32
    %dma_start3A_35 = arith.constant 0 : i32
    %dma_start3A_36 = tpu.memref_slice %arg13[%dma_start3A_33, %dma_start3A_34, %dma_start3A_35] : memref<2x64x128xf32, #tpu.memory_space<vmem>> -> memref<1x64x128xf32, #tpu.memory_space<vmem>>
    %dma_start3A_37 = tpu.memref_squeeze %dma_start3A_36 : memref<1x64x128xf32, #tpu.memory_space<vmem>> -> memref<64x128xf32, #tpu.memory_space<vmem>>
    %dma_start3A_38 = arith.constant 0 : i32
    %dma_start3A_39 = tpu.memref_slice %arg10[%dma_start3A_38] : memref<512xi32, #tpu.memory_space<vmem>> -> memref<64xi32, #tpu.memory_space<vmem>>
    %dma_start3A_40 = arith.constant 0 : i32
    %dma_start3A_41 = arith.constant 0 : i32
    %dma_start3A_42 = tpu.memref_slice %arg6[%dma_start3A_40, %dma_start3A_41] : memref<100000x128xf32, #tpu.memory_space<hbm>> -> memref<100000x128xf32, #tpu.memory_space<hbm>>
    tpu.enqueue_indirect_dma source(%dma_start3A_42 : memref<100000x128xf32, #tpu.memory_space<hbm>>) target(%dma_start3A_37 : memref<64x128xf32, #tpu.memory_space<vmem>>) offsets(%dma_start3A_39 : memref<64xi32, #tpu.memory_space<vmem>>) semaphore(%arg20 : memref<!tpu.dma_semaphore, #tpu.memory_space<semaphore_mem>>)
    %dma_start3A_43 = arith.constant 0 : i32
    %dma_start3A_44 = arith.constant 0 : i32
    %dma_start3A_45 = arith.constant 0 : i32
    %dma_start3A_46 = tpu.memref_slice %arg14[%dma_start3A_43, %dma_start3A_44, %dma_start3A_45] : memref<2x64x128xf32, #tpu.memory_space<vmem>> -> memref<1x64x128xf32, #tpu.memory_space<vmem>>
    %dma_start3A_47 = tpu.memref_squeeze %dma_start3A_46 : memref<1x64x128xf32, #tpu.memory_space<vmem>> -> memref<64x128xf32, #tpu.memory_space<vmem>>
    %dma_start3A_48 = arith.constant 0 : i32
    %dma_start3A_49 = tpu.memref_slice %arg11[%dma_start3A_48] : memref<512xi32, #tpu.memory_space<vmem>> -> memref<64xi32, #tpu.memory_space<vmem>>
    %dma_start3A_50 = arith.constant 0 : i32
    %dma_start3A_51 = arith.constant 0 : i32
    %dma_start3A_52 = tpu.memref_slice %arg6[%dma_start3A_50, %dma_start3A_51] : memref<100000x128xf32, #tpu.memory_space<hbm>> -> memref<100000x128xf32, #tpu.memory_space<hbm>>
    tpu.enqueue_indirect_dma source(%dma_start3A_52 : memref<100000x128xf32, #tpu.memory_space<hbm>>) target(%dma_start3A_47 : memref<64x128xf32, #tpu.memory_space<vmem>>) offsets(%dma_start3A_49 : memref<64xi32, #tpu.memory_space<vmem>>) semaphore(%arg20 : memref<!tpu.dma_semaphore, #tpu.memory_space<semaphore_mem>>)
    %dma_start3A_53 = arith.constant 1 : i32
    %dma_start3A_54 = arith.constant 0 : i32
    %dma_start3A_55 = arith.constant 0 : i32
    %dma_start3A_56 = tpu.memref_slice %arg13[%dma_start3A_53, %dma_start3A_54, %dma_start3A_55] : memref<2x64x128xf32, #tpu.memory_space<vmem>> -> memref<1x64x128xf32, #tpu.memory_space<vmem>>
    %dma_start3A_57 = tpu.memref_squeeze %dma_start3A_56 : memref<1x64x128xf32, #tpu.memory_space<vmem>> -> memref<64x128xf32, #tpu.memory_space<vmem>>
    %dma_start3A_58 = arith.constant 64 : i32
    %dma_start3A_59 = tpu.memref_slice %arg10[%dma_start3A_58] : memref<512xi32, #tpu.memory_space<vmem>> -> memref<64xi32, #tpu.memory_space<vmem>>
    %dma_start3A_60 = arith.constant 0 : i32
    %dma_start3A_61 = arith.constant 0 : i32
    %dma_start3A_62 = tpu.memref_slice %arg6[%dma_start3A_60, %dma_start3A_61] : memref<100000x128xf32, #tpu.memory_space<hbm>> -> memref<100000x128xf32, #tpu.memory_space<hbm>>
    tpu.enqueue_indirect_dma source(%dma_start3A_62 : memref<100000x128xf32, #tpu.memory_space<hbm>>) target(%dma_start3A_57 : memref<64x128xf32, #tpu.memory_space<vmem>>) offsets(%dma_start3A_59 : memref<64xi32, #tpu.memory_space<vmem>>) semaphore(%arg21 : memref<!tpu.dma_semaphore, #tpu.memory_space<semaphore_mem>>)
    %dma_start3A_63 = arith.constant 1 : i32
    %dma_start3A_64 = arith.constant 0 : i32
    %dma_start3A_65 = arith.constant 0 : i32
    %dma_start3A_66 = tpu.memref_slice %arg14[%dma_start3A_63, %dma_start3A_64, %dma_start3A_65] : memref<2x64x128xf32, #tpu.memory_space<vmem>> -> memref<1x64x128xf32, #tpu.memory_space<vmem>>
    %dma_start3A_67 = tpu.memref_squeeze %dma_start3A_66 : memref<1x64x128xf32, #tpu.memory_space<vmem>> -> memref<64x128xf32, #tpu.memory_space<vmem>>
    %dma_start3A_68 = arith.constant 64 : i32
    %dma_start3A_69 = tpu.memref_slice %arg11[%dma_start3A_68] : memref<512xi32, #tpu.memory_space<vmem>> -> memref<64xi32, #tpu.memory_space<vmem>>
    %dma_start3A_70 = arith.constant 0 : i32
    %dma_start3A_71 = arith.constant 0 : i32
    %dma_start3A_72 = tpu.memref_slice %arg6[%dma_start3A_70, %dma_start3A_71] : memref<100000x128xf32, #tpu.memory_space<hbm>> -> memref<100000x128xf32, #tpu.memory_space<hbm>>
    tpu.enqueue_indirect_dma source(%dma_start3A_72 : memref<100000x128xf32, #tpu.memory_space<hbm>>) target(%dma_start3A_67 : memref<64x128xf32, #tpu.memory_space<vmem>>) offsets(%dma_start3A_69 : memref<64xi32, #tpu.memory_space<vmem>>) semaphore(%arg21 : memref<!tpu.dma_semaphore, #tpu.memory_space<semaphore_mem>>)
    %iota3A = tpu.iota {dimensions = array<i32: 0>} : vector<16xi32>
    %scan3A = arith.constant 0 : i32
    %scan3A_73 = arith.constant 0 : i32
    %scan3A_74 = arith.constant 8 : i32
    %scan3A_75 = arith.addi %scan3A_73, %scan3A_74 : i32
    %scan3A_76 = arith.constant 1 : i32
    scf.for %scan3A_86 = %scan3A_73 to %scan3A_75 step %scan3A_76  : i32 {
      %rem3A = arith.constant 2 : i32
      %rem3A_87 = arith.remsi %scan3A_86, %rem3A : i32
      %eq3A = arith.constant 0 : i32
      %eq3A_88 = arith.cmpi eq, %rem3A_87, %eq3A : i32
      %convert_element_type3A = arith.extui %eq3A_88 : i1 to i32
      %cond3A = arith.constant 0 : i32
      %cond3A_89 = arith.cmpi ne, %convert_element_type3A, %cond3A : i32
      scf.if %cond3A_89 {
        %dma_wait3A_111 = arith.constant 0 : i32
        %dma_wait3A_112 = arith.constant 0 : i32
        %dma_wait3A_113 = arith.constant 0 : i32
        %dma_wait3A_114 = tpu.memref_slice %arg12[%dma_wait3A_111, %dma_wait3A_112, %dma_wait3A_113] : memref<2x64x128xf32, #tpu.memory_space<vmem>> -> memref<1x64x128xf32, #tpu.memory_space<vmem>>
        %dma_wait3A_115 = tpu.memref_squeeze %dma_wait3A_114 : memref<1x64x128xf32, #tpu.memory_space<vmem>> -> memref<64x128xf32, #tpu.memory_space<vmem>>
        %dma_wait3A_116 = arith.constant 0 : i32
        %dma_wait3A_117 = arith.constant 0 : i32
        %dma_wait3A_118 = tpu.memref_slice %arg5[%dma_wait3A_116, %dma_wait3A_117] : memref<100000x128xf32, #tpu.memory_space<hbm>> -> memref<64x128xf32, #tpu.memory_space<hbm>>
        %dma_wait3A_119 = arith.constant 0 : i32
        %dma_wait3A_120 = arith.constant 0 : i32
        %dma_wait3A_121 = tpu.memref_slice %arg12[%dma_wait3A_111, %dma_wait3A_119, %dma_wait3A_120] : memref<2x64x128xf32, #tpu.memory_space<vmem>> -> memref<1x64x128xf32, #tpu.memory_space<vmem>>
        %dma_wait3A_122 = tpu.memref_squeeze %dma_wait3A_121 : memref<1x64x128xf32, #tpu.memory_space<vmem>> -> memref<64x128xf32, #tpu.memory_space<vmem>>
        %dma_wait3A_123 = arith.constant 0 : i32
        %dma_wait3A_124 = arith.constant 0 : i32
        %dma_wait3A_125 = tpu.memref_slice %arg5[%dma_wait3A_123, %dma_wait3A_124] : memref<100000x128xf32, #tpu.memory_space<hbm>> -> memref<64x128xf32, #tpu.memory_space<hbm>>
        tpu.wait_dma2 semaphore(%arg20 : memref<!tpu.dma_semaphore, #tpu.memory_space<semaphore_mem>>) src(%dma_wait3A_125 : memref<64x128xf32, #tpu.memory_space<hbm>>) dst(%dma_wait3A_122 : memref<64x128xf32, #tpu.memory_space<vmem>>)
        %dma_wait3A_126 = arith.constant 0 : i32
        %dma_wait3A_127 = arith.constant 0 : i32
        %dma_wait3A_128 = arith.constant 0 : i32
        %dma_wait3A_129 = tpu.memref_slice %arg13[%dma_wait3A_126, %dma_wait3A_127, %dma_wait3A_128] : memref<2x64x128xf32, #tpu.memory_space<vmem>> -> memref<1x64x128xf32, #tpu.memory_space<vmem>>
        %dma_wait3A_130 = tpu.memref_squeeze %dma_wait3A_129 : memref<1x64x128xf32, #tpu.memory_space<vmem>> -> memref<64x128xf32, #tpu.memory_space<vmem>>
        %dma_wait3A_131 = arith.constant 0 : i32
        %dma_wait3A_132 = arith.constant 0 : i32
        %dma_wait3A_133 = tpu.memref_slice %arg6[%dma_wait3A_131, %dma_wait3A_132] : memref<100000x128xf32, #tpu.memory_space<hbm>> -> memref<64x128xf32, #tpu.memory_space<hbm>>
        %dma_wait3A_134 = arith.constant 0 : i32
        %dma_wait3A_135 = arith.constant 0 : i32
        %dma_wait3A_136 = tpu.memref_slice %arg13[%dma_wait3A_126, %dma_wait3A_134, %dma_wait3A_135] : memref<2x64x128xf32, #tpu.memory_space<vmem>> -> memref<1x64x128xf32, #tpu.memory_space<vmem>>
        %dma_wait3A_137 = tpu.memref_squeeze %dma_wait3A_136 : memref<1x64x128xf32, #tpu.memory_space<vmem>> -> memref<64x128xf32, #tpu.memory_space<vmem>>
        %dma_wait3A_138 = arith.constant 0 : i32
        %dma_wait3A_139 = arith.constant 0 : i32
        %dma_wait3A_140 = tpu.memref_slice %arg6[%dma_wait3A_138, %dma_wait3A_139] : memref<100000x128xf32, #tpu.memory_space<hbm>> -> memref<64x128xf32, #tpu.memory_space<hbm>>
        tpu.wait_dma2 semaphore(%arg20 : memref<!tpu.dma_semaphore, #tpu.memory_space<semaphore_mem>>) src(%dma_wait3A_140 : memref<64x128xf32, #tpu.memory_space<hbm>>) dst(%dma_wait3A_137 : memref<64x128xf32, #tpu.memory_space<vmem>>)
        %dma_wait3A_141 = arith.constant 0 : i32
        %dma_wait3A_142 = arith.constant 0 : i32
        %dma_wait3A_143 = arith.constant 0 : i32
        %dma_wait3A_144 = tpu.memref_slice %arg14[%dma_wait3A_141, %dma_wait3A_142, %dma_wait3A_143] : memref<2x64x128xf32, #tpu.memory_space<vmem>> -> memref<1x64x128xf32, #tpu.memory_space<vmem>>
        %dma_wait3A_145 = tpu.memref_squeeze %dma_wait3A_144 : memref<1x64x128xf32, #tpu.memory_space<vmem>> -> memref<64x128xf32, #tpu.memory_space<vmem>>
        %dma_wait3A_146 = arith.constant 0 : i32
        %dma_wait3A_147 = arith.constant 0 : i32
        %dma_wait3A_148 = tpu.memref_slice %arg6[%dma_wait3A_146, %dma_wait3A_147] : memref<100000x128xf32, #tpu.memory_space<hbm>> -> memref<64x128xf32, #tpu.memory_space<hbm>>
        %dma_wait3A_149 = arith.constant 0 : i32
        %dma_wait3A_150 = arith.constant 0 : i32
        %dma_wait3A_151 = tpu.memref_slice %arg14[%dma_wait3A_141, %dma_wait3A_149, %dma_wait3A_150] : memref<2x64x128xf32, #tpu.memory_space<vmem>> -> memref<1x64x128xf32, #tpu.memory_space<vmem>>
        %dma_wait3A_152 = tpu.memref_squeeze %dma_wait3A_151 : memref<1x64x128xf32, #tpu.memory_space<vmem>> -> memref<64x128xf32, #tpu.memory_space<vmem>>
        %dma_wait3A_153 = arith.constant 0 : i32
        %dma_wait3A_154 = arith.constant 0 : i32
        %dma_wait3A_155 = tpu.memref_slice %arg6[%dma_wait3A_153, %dma_wait3A_154] : memref<100000x128xf32, #tpu.memory_space<hbm>> -> memref<64x128xf32, #tpu.memory_space<hbm>>
        tpu.wait_dma2 semaphore(%arg20 : memref<!tpu.dma_semaphore, #tpu.memory_space<semaphore_mem>>) src(%dma_wait3A_155 : memref<64x128xf32, #tpu.memory_space<hbm>>) dst(%dma_wait3A_152 : memref<64x128xf32, #tpu.memory_space<vmem>>)
      } else {
      }
      %eq3A_90 = arith.constant 1 : i32
      %eq3A_91 = arith.cmpi eq, %rem3A_87, %eq3A_90 : i32
      %convert_element_type3A_92 = arith.extui %eq3A_91 : i1 to i32
      %cond3A_93 = arith.constant 0 : i32
      %cond3A_94 = arith.cmpi ne, %convert_element_type3A_92, %cond3A_93 : i32
      scf.if %cond3A_94 {
        %dma_wait3A_111 = arith.constant 1 : i32
        %dma_wait3A_112 = arith.constant 0 : i32
        %dma_wait3A_113 = arith.constant 0 : i32
        %dma_wait3A_114 = tpu.memref_slice %arg12[%dma_wait3A_111, %dma_wait3A_112, %dma_wait3A_113] : memref<2x64x128xf32, #tpu.memory_space<vmem>> -> memref<1x64x128xf32, #tpu.memory_space<vmem>>
        %dma_wait3A_115 = tpu.memref_squeeze %dma_wait3A_114 : memref<1x64x128xf32, #tpu.memory_space<vmem>> -> memref<64x128xf32, #tpu.memory_space<vmem>>
        %dma_wait3A_116 = arith.constant 0 : i32
        %dma_wait3A_117 = arith.constant 0 : i32
        %dma_wait3A_118 = tpu.memref_slice %arg5[%dma_wait3A_116, %dma_wait3A_117] : memref<100000x128xf32, #tpu.memory_space<hbm>> -> memref<64x128xf32, #tpu.memory_space<hbm>>
        %dma_wait3A_119 = arith.constant 0 : i32
        %dma_wait3A_120 = arith.constant 0 : i32
        %dma_wait3A_121 = tpu.memref_slice %arg12[%dma_wait3A_111, %dma_wait3A_119, %dma_wait3A_120] : memref<2x64x128xf32, #tpu.memory_space<vmem>> -> memref<1x64x128xf32, #tpu.memory_space<vmem>>
        %dma_wait3A_122 = tpu.memref_squeeze %dma_wait3A_121 : memref<1x64x128xf32, #tpu.memory_space<vmem>> -> memref<64x128xf32, #tpu.memory_space<vmem>>
        %dma_wait3A_123 = arith.constant 0 : i32
        %dma_wait3A_124 = arith.constant 0 : i32
        %dma_wait3A_125 = tpu.memref_slice %arg5[%dma_wait3A_123, %dma_wait3A_124] : memref<100000x128xf32, #tpu.memory_space<hbm>> -> memref<64x128xf32, #tpu.memory_space<hbm>>
        tpu.wait_dma2 semaphore(%arg21 : memref<!tpu.dma_semaphore, #tpu.memory_space<semaphore_mem>>) src(%dma_wait3A_125 : memref<64x128xf32, #tpu.memory_space<hbm>>) dst(%dma_wait3A_122 : memref<64x128xf32, #tpu.memory_space<vmem>>)
        %dma_wait3A_126 = arith.constant 1 : i32
        %dma_wait3A_127 = arith.constant 0 : i32
        %dma_wait3A_128 = arith.constant 0 : i32
        %dma_wait3A_129 = tpu.memref_slice %arg13[%dma_wait3A_126, %dma_wait3A_127, %dma_wait3A_128] : memref<2x64x128xf32, #tpu.memory_space<vmem>> -> memref<1x64x128xf32, #tpu.memory_space<vmem>>
        %dma_wait3A_130 = tpu.memref_squeeze %dma_wait3A_129 : memref<1x64x128xf32, #tpu.memory_space<vmem>> -> memref<64x128xf32, #tpu.memory_space<vmem>>
        %dma_wait3A_131 = arith.constant 0 : i32
        %dma_wait3A_132 = arith.constant 0 : i32
        %dma_wait3A_133 = tpu.memref_slice %arg6[%dma_wait3A_131, %dma_wait3A_132] : memref<100000x128xf32, #tpu.memory_space<hbm>> -> memref<64x128xf32, #tpu.memory_space<hbm>>
        %dma_wait3A_134 = arith.constant 0 : i32
        %dma_wait3A_135 = arith.constant 0 : i32
        %dma_wait3A_136 = tpu.memref_slice %arg13[%dma_wait3A_126, %dma_wait3A_134, %dma_wait3A_135] : memref<2x64x128xf32, #tpu.memory_space<vmem>> -> memref<1x64x128xf32, #tpu.memory_space<vmem>>
        %dma_wait3A_137 = tpu.memref_squeeze %dma_wait3A_136 : memref<1x64x128xf32, #tpu.memory_space<vmem>> -> memref<64x128xf32, #tpu.memory_space<vmem>>
        %dma_wait3A_138 = arith.constant 0 : i32
        %dma_wait3A_139 = arith.constant 0 : i32
        %dma_wait3A_140 = tpu.memref_slice %arg6[%dma_wait3A_138, %dma_wait3A_139] : memref<100000x128xf32, #tpu.memory_space<hbm>> -> memref<64x128xf32, #tpu.memory_space<hbm>>
        tpu.wait_dma2 semaphore(%arg21 : memref<!tpu.dma_semaphore, #tpu.memory_space<semaphore_mem>>) src(%dma_wait3A_140 : memref<64x128xf32, #tpu.memory_space<hbm>>) dst(%dma_wait3A_137 : memref<64x128xf32, #tpu.memory_space<vmem>>)
        %dma_wait3A_141 = arith.constant 1 : i32
        %dma_wait3A_142 = arith.constant 0 : i32
        %dma_wait3A_143 = arith.constant 0 : i32
        %dma_wait3A_144 = tpu.memref_slice %arg14[%dma_wait3A_141, %dma_wait3A_142, %dma_wait3A_143] : memref<2x64x128xf32, #tpu.memory_space<vmem>> -> memref<1x64x128xf32, #tpu.memory_space<vmem>>
        %dma_wait3A_145 = tpu.memref_squeeze %dma_wait3A_144 : memref<1x64x128xf32, #tpu.memory_space<vmem>> -> memref<64x128xf32, #tpu.memory_space<vmem>>
        %dma_wait3A_146 = arith.constant 0 : i32
        %dma_wait3A_147 = arith.constant 0 : i32
        %dma_wait3A_148 = tpu.memref_slice %arg6[%dma_wait3A_146, %dma_wait3A_147] : memref<100000x128xf32, #tpu.memory_space<hbm>> -> memref<64x128xf32, #tpu.memory_space<hbm>>
        %dma_wait3A_149 = arith.constant 0 : i32
        %dma_wait3A_150 = arith.constant 0 : i32
        %dma_wait3A_151 = tpu.memref_slice %arg14[%dma_wait3A_141, %dma_wait3A_149, %dma_wait3A_150] : memref<2x64x128xf32, #tpu.memory_space<vmem>> -> memref<1x64x128xf32, #tpu.memory_space<vmem>>
        %dma_wait3A_152 = tpu.memref_squeeze %dma_wait3A_151 : memref<1x64x128xf32, #tpu.memory_space<vmem>> -> memref<64x128xf32, #tpu.memory_space<vmem>>
        %dma_wait3A_153 = arith.constant 0 : i32
        %dma_wait3A_154 = arith.constant 0 : i32
        %dma_wait3A_155 = tpu.memref_slice %arg6[%dma_wait3A_153, %dma_wait3A_154] : memref<100000x128xf32, #tpu.memory_space<hbm>> -> memref<64x128xf32, #tpu.memory_space<hbm>>
        tpu.wait_dma2 semaphore(%arg21 : memref<!tpu.dma_semaphore, #tpu.memory_space<semaphore_mem>>) src(%dma_wait3A_155 : memref<64x128xf32, #tpu.memory_space<hbm>>) dst(%dma_wait3A_152 : memref<64x128xf32, #tpu.memory_space<vmem>>)
      } else {
      }
      %scan3A_95 = arith.constant 0 : i32
      %scan3A_96 = arith.constant 0 : i32
      %scan3A_97 = arith.constant 32 : i32
      %scan3A_98 = arith.addi %scan3A_96, %scan3A_97 : i32
      %scan3A_99 = arith.constant 1 : i32
      scf.for %scan3A_111 = %scan3A_96 to %scan3A_98 step %scan3A_99  : i32 {
        %mul3A_112 = arith.constant 2 : i32
        %mul3A_113 = arith.muli %scan3A_111, %mul3A_112 : i32
        %add3A_114 = arith.constant 0 : i32
        %add3A_115 = arith.addi %mul3A_113, %add3A_114 : i32
        %get3A = arith.index_cast %rem3A_87 : i32 to index
        %get3A_116 = arith.index_cast %add3A_115 : i32 to index
        %get3A_117 = arith.constant 0 : index
        %get3A_118 = tpu.vector_load %arg12[%get3A, %get3A_116, %get3A_117] {strides = array<i32>} : memref<2x64x128xf32, #tpu.memory_space<vmem>>, vector<1x1x16xf32>,
        %get3A_119 = vector.shape_cast %get3A_118 : vector<1x1x16xf32> to vector<16xf32>
        %get3A_120 = arith.index_cast %rem3A_87 : i32 to index
        %get3A_121 = arith.index_cast %add3A_115 : i32 to index
        %get3A_122 = arith.constant 16 : index
        %get3A_123 = tpu.vector_load %arg12[%get3A_120, %get3A_121, %get3A_122] {strides = array<i32>} : memref<2x64x128xf32, #tpu.memory_space<vmem>>, vector<1x1x16xf32>,
        %get3A_124 = vector.shape_cast %get3A_123 : vector<1x1x16xf32> to vector<16xf32>
        %get3A_125 = arith.index_cast %rem3A_87 : i32 to index
        %get3A_126 = arith.index_cast %add3A_115 : i32 to index
        %get3A_127 = arith.constant 32 : index
        %get3A_128 = tpu.vector_load %arg12[%get3A_125, %get3A_126, %get3A_127] {strides = array<i32>} : memref<2x64x128xf32, #tpu.memory_space<vmem>>, vector<1x1x16xf32>,
        %get3A_129 = vector.shape_cast %get3A_128 : vector<1x1x16xf32> to vector<16xf32>
        %get3A_130 = arith.index_cast %rem3A_87 : i32 to index
        %get3A_131 = arith.index_cast %add3A_115 : i32 to index
        %get3A_132 = arith.constant 48 : index
        %get3A_133 = tpu.vector_load %arg12[%get3A_130, %get3A_131, %get3A_132] {strides = array<i32>} : memref<2x64x128xf32, #tpu.memory_space<vmem>>, vector<1x1x16xf32>,
        %get3A_134 = vector.shape_cast %get3A_133 : vector<1x1x16xf32> to vector<16xf32>
        %get3A_135 = arith.index_cast %rem3A_87 : i32 to index
        %get3A_136 = arith.index_cast %add3A_115 : i32 to index
        %get3A_137 = arith.constant 64 : index
        %get3A_138 = tpu.vector_load %arg12[%get3A_135, %get3A_136, %get3A_137] {strides = array<i32>} : memref<2x64x128xf32, #tpu.memory_space<vmem>>, vector<1x1x16xf32>,
        %get3A_139 = vector.shape_cast %get3A_138 : vector<1x1x16xf32> to vector<16xf32>
        %get3A_140 = arith.index_cast %rem3A_87 : i32 to index
        %get3A_141 = arith.index_cast %add3A_115 : i32 to index
        %get3A_142 = arith.constant 80 : index
        %get3A_143 = tpu.vector_load %arg12[%get3A_140, %get3A_141, %get3A_142] {strides = array<i32>} : memref<2x64x128xf32, #tpu.memory_space<vmem>>, vector<1x1x16xf32>,
        %get3A_144 = vector.shape_cast %get3A_143 : vector<1x1x16xf32> to vector<16xf32>
        %get3A_145 = arith.index_cast %rem3A_87 : i32 to index
        %get3A_146 = arith.index_cast %add3A_115 : i32 to index
        %get3A_147 = arith.constant 96 : index
        %get3A_148 = tpu.vector_load %arg12[%get3A_145, %get3A_146, %get3A_147] {strides = array<i32>} : memref<2x64x128xf32, #tpu.memory_space<vmem>>, vector<1x1x16xf32>,
        %get3A_149 = vector.shape_cast %get3A_148 : vector<1x1x16xf32> to vector<16xf32>
        %get3A_150 = arith.index_cast %rem3A_87 : i32 to index
        %get3A_151 = arith.index_cast %add3A_115 : i32 to index
        %get3A_152 = arith.constant 112 : index
        %get3A_153 = tpu.vector_load %arg12[%get3A_150, %get3A_151, %get3A_152] {strides = array<i32>} : memref<2x64x128xf32, #tpu.memory_space<vmem>>, vector<1x1x16xf32>,
        %get3A_154 = vector.shape_cast %get3A_153 : vector<1x1x16xf32> to vector<16xf32>
        %get3A_155 = arith.index_cast %rem3A_87 : i32 to index
        %get3A_156 = arith.index_cast %add3A_115 : i32 to index
        %get3A_157 = arith.constant 0 : index
        %get3A_158 = tpu.vector_load %arg13[%get3A_155, %get3A_156, %get3A_157] {strides = array<i32>} : memref<2x64x128xf32, #tpu.memory_space<vmem>>, vector<1x1x16xf32>,
        %get3A_159 = vector.shape_cast %get3A_158 : vector<1x1x16xf32> to vector<16xf32>
        %get3A_160 = arith.index_cast %rem3A_87 : i32 to index
        %get3A_161 = arith.index_cast %add3A_115 : i32 to index
        %get3A_162 = arith.constant 16 : index
        %get3A_163 = tpu.vector_load %arg13[%get3A_160, %get3A_161, %get3A_162] {strides = array<i32>} : memref<2x64x128xf32, #tpu.memory_space<vmem>>, vector<1x1x16xf32>,
        %get3A_164 = vector.shape_cast %get3A_163 : vector<1x1x16xf32> to vector<16xf32>
        %get3A_165 = arith.index_cast %rem3A_87 : i32 to index
        %get3A_166 = arith.index_cast %add3A_115 : i32 to index
        %get3A_167 = arith.constant 32 : index
        %get3A_168 = tpu.vector_load %arg13[%get3A_165, %get3A_166, %get3A_167] {strides = array<i32>} : memref<2x64x128xf32, #tpu.memory_space<vmem>>, vector<1x1x16xf32>,
        %get3A_169 = vector.shape_cast %get3A_168 : vector<1x1x16xf32> to vector<16xf32>
        %get3A_170 = arith.index_cast %rem3A_87 : i32 to index
        %get3A_171 = arith.index_cast %add3A_115 : i32 to index
        %get3A_172 = arith.constant 48 : index
        %get3A_173 = tpu.vector_load %arg13[%get3A_170, %get3A_171, %get3A_172] {strides = array<i32>} : memref<2x64x128xf32, #tpu.memory_space<vmem>>, vector<1x1x16xf32>,
        %get3A_174 = vector.shape_cast %get3A_173 : vector<1x1x16xf32> to vector<16xf32>
        %get3A_175 = arith.index_cast %rem3A_87 : i32 to index
        %get3A_176 = arith.index_cast %add3A_115 : i32 to index
        %get3A_177 = arith.constant 64 : index
        %get3A_178 = tpu.vector_load %arg13[%get3A_175, %get3A_176, %get3A_177] {strides = array<i32>} : memref<2x64x128xf32, #tpu.memory_space<vmem>>, vector<1x1x16xf32>,
        %get3A_179 = vector.shape_cast %get3A_178 : vector<1x1x16xf32> to vector<16xf32>
        %get3A_180 = arith.index_cast %rem3A_87 : i32 to index
        %get3A_181 = arith.index_cast %add3A_115 : i32 to index
        %get3A_182 = arith.constant 80 : index
        %get3A_183 = tpu.vector_load %arg13[%get3A_180, %get3A_181, %get3A_182] {strides = array<i32>} : memref<2x64x128xf32, #tpu.memory_space<vmem>>, vector<1x1x16xf32>,
        %get3A_184 = vector.shape_cast %get3A_183 : vector<1x1x16xf32> to vector<16xf32>
        %get3A_185 = arith.index_cast %rem3A_87 : i32 to index
        %get3A_186 = arith.index_cast %add3A_115 : i32 to index
        %get3A_187 = arith.constant 96 : index
        %get3A_188 = tpu.vector_load %arg13[%get3A_185, %get3A_186, %get3A_187] {strides = array<i32>} : memref<2x64x128xf32, #tpu.memory_space<vmem>>, vector<1x1x16xf32>,
        %get3A_189 = vector.shape_cast %get3A_188 : vector<1x1x16xf32> to vector<16xf32>
        %get3A_190 = arith.index_cast %rem3A_87 : i32 to index
        %get3A_191 = arith.index_cast %add3A_115 : i32 to index
        %get3A_192 = arith.constant 112 : index
        %get3A_193 = tpu.vector_load %arg13[%get3A_190, %get3A_191, %get3A_192] {strides = array<i32>} : memref<2x64x128xf32, #tpu.memory_space<vmem>>, vector<1x1x16xf32>,
        %get3A_194 = vector.shape_cast %get3A_193 : vector<1x1x16xf32> to vector<16xf32>
        %get3A_195 = arith.index_cast %rem3A_87 : i32 to index
        %get3A_196 = arith.index_cast %add3A_115 : i32 to index
        %get3A_197 = arith.constant 0 : index
        %get3A_198 = tpu.vector_load %arg14[%get3A_195, %get3A_196, %get3A_197] {strides = array<i32>} : memref<2x64x128xf32, #tpu.memory_space<vmem>>, vector<1x1x16xf32>,
        %get3A_199 = vector.shape_cast %get3A_198 : vector<1x1x16xf32> to vector<16xf32>
        %get3A_200 = arith.index_cast %rem3A_87 : i32 to index
        %get3A_201 = arith.index_cast %add3A_115 : i32 to index
        %get3A_202 = arith.constant 16 : index
        %get3A_203 = tpu.vector_load %arg14[%get3A_200, %get3A_201, %get3A_202] {strides = array<i32>} : memref<2x64x128xf32, #tpu.memory_space<vmem>>, vector<1x1x16xf32>,
        %get3A_204 = vector.shape_cast %get3A_203 : vector<1x1x16xf32> to vector<16xf32>
        %get3A_205 = arith.index_cast %rem3A_87 : i32 to index
        %get3A_206 = arith.index_cast %add3A_115 : i32 to index
        %get3A_207 = arith.constant 32 : index
        %get3A_208 = tpu.vector_load %arg14[%get3A_205, %get3A_206, %get3A_207] {strides = array<i32>} : memref<2x64x128xf32, #tpu.memory_space<vmem>>, vector<1x1x16xf32>,
        %get3A_209 = vector.shape_cast %get3A_208 : vector<1x1x16xf32> to vector<16xf32>
        %get3A_210 = arith.index_cast %rem3A_87 : i32 to index
        %get3A_211 = arith.index_cast %add3A_115 : i32 to index
        %get3A_212 = arith.constant 48 : index
        %get3A_213 = tpu.vector_load %arg14[%get3A_210, %get3A_211, %get3A_212] {strides = array<i32>} : memref<2x64x128xf32, #tpu.memory_space<vmem>>, vector<1x1x16xf32>,
        %get3A_214 = vector.shape_cast %get3A_213 : vector<1x1x16xf32> to vector<16xf32>
        %get3A_215 = arith.index_cast %rem3A_87 : i32 to index
        %get3A_216 = arith.index_cast %add3A_115 : i32 to index
        %get3A_217 = arith.constant 64 : index
        %get3A_218 = tpu.vector_load %arg14[%get3A_215, %get3A_216, %get3A_217] {strides = array<i32>} : memref<2x64x128xf32, #tpu.memory_space<vmem>>, vector<1x1x16xf32>,
        %get3A_219 = vector.shape_cast %get3A_218 : vector<1x1x16xf32> to vector<16xf32>
        %get3A_220 = arith.index_cast %rem3A_87 : i32 to index
        %get3A_221 = arith.index_cast %add3A_115 : i32 to index
        %get3A_222 = arith.constant 80 : index
        %get3A_223 = tpu.vector_load %arg14[%get3A_220, %get3A_221, %get3A_222] {strides = array<i32>} : memref<2x64x128xf32, #tpu.memory_space<vmem>>, vector<1x1x16xf32>,
        %get3A_224 = vector.shape_cast %get3A_223 : vector<1x1x16xf32> to vector<16xf32>
        %get3A_225 = arith.index_cast %rem3A_87 : i32 to index
        %get3A_226 = arith.index_cast %add3A_115 : i32 to index
        %get3A_227 = arith.constant 96 : index
        %get3A_228 = tpu.vector_load %arg14[%get3A_225, %get3A_226, %get3A_227] {strides = array<i32>} : memref<2x64x128xf32, #tpu.memory_space<vmem>>, vector<1x1x16xf32>,
        %get3A_229 = vector.shape_cast %get3A_228 : vector<1x1x16xf32> to vector<16xf32>
        %get3A_230 = arith.index_cast %rem3A_87 : i32 to index
        %get3A_231 = arith.index_cast %add3A_115 : i32 to index
        %get3A_232 = arith.constant 112 : index
        %get3A_233 = tpu.vector_load %arg14[%get3A_230, %get3A_231, %get3A_232] {strides = array<i32>} : memref<2x64x128xf32, #tpu.memory_space<vmem>>, vector<1x1x16xf32>,
        %get3A_234 = vector.shape_cast %get3A_233 : vector<1x1x16xf32> to vector<16xf32>
        %mul3A_235 = arith.mulf %get3A_119, %get3A_159 : vector<16xf32>
        %mul3A_236 = arith.mulf %get3A_124, %get3A_164 : vector<16xf32>
        %mul3A_237 = arith.mulf %get3A_129, %get3A_169 : vector<16xf32>
        %mul3A_238 = arith.mulf %get3A_134, %get3A_174 : vector<16xf32>
        %mul3A_239 = arith.mulf %get3A_139, %get3A_179 : vector<16xf32>
        %mul3A_240 = arith.mulf %get3A_144, %get3A_184 : vector<16xf32>
        %mul3A_241 = arith.mulf %get3A_149, %get3A_189 : vector<16xf32>
        %mul3A_242 = arith.mulf %get3A_154, %get3A_194 : vector<16xf32>
        %mul3A_243 = arith.mulf %get3A_119, %get3A_199 : vector<16xf32>
        %mul3A_244 = arith.mulf %get3A_124, %get3A_204 : vector<16xf32>
        %mul3A_245 = arith.mulf %get3A_129, %get3A_209 : vector<16xf32>
        %mul3A_246 = arith.mulf %get3A_134, %get3A_214 : vector<16xf32>
        %mul3A_247 = arith.mulf %get3A_139, %get3A_219 : vector<16xf32>
        %mul3A_248 = arith.mulf %get3A_144, %get3A_224 : vector<16xf32>
        %mul3A_249 = arith.mulf %get3A_149, %get3A_229 : vector<16xf32>
        %mul3A_250 = arith.mulf %get3A_154, %get3A_234 : vector<16xf32>
        %add3A_251 = arith.addf %mul3A_235, %mul3A_236 : vector<16xf32>
        %add3A_252 = arith.addf %mul3A_237, %mul3A_238 : vector<16xf32>
        %add3A_253 = arith.addf %add3A_251, %add3A_252 : vector<16xf32>
        %add3A_254 = arith.addf %mul3A_239, %mul3A_240 : vector<16xf32>
        %add3A_255 = arith.addf %mul3A_241, %mul3A_242 : vector<16xf32>
        %add3A_256 = arith.addf %add3A_254, %add3A_255 : vector<16xf32>
        %add3A_257 = arith.addf %add3A_253, %add3A_256 : vector<16xf32>
        %add3A_258 = arith.addf %mul3A_243, %mul3A_244 : vector<16xf32>
        %add3A_259 = arith.addf %mul3A_245, %mul3A_246 : vector<16xf32>
        %add3A_260 = arith.addf %add3A_258, %add3A_259 : vector<16xf32>
        %add3A_261 = arith.addf %mul3A_247, %mul3A_248 : vector<16xf32>
        %add3A_262 = arith.addf %mul3A_249, %mul3A_250 : vector<16xf32>
        %add3A_263 = arith.addf %add3A_261, %add3A_262 : vector<16xf32>
        %add3A_264 = arith.addf %add3A_260, %add3A_263 : vector<16xf32>
        %mul3A_265 = arith.constant 16 : i32
        %mul3A_266 = arith.muli %add3A_115, %mul3A_265 : i32
        %swap3A = arith.index_cast %mul3A_266 : i32 to index
        %swap3A_267 = tpu.vector_load %arg15[%swap3A] {strides = array<i32>} : memref<1024xf32, #tpu.memory_space<vmem>>, vector<16xf32>,
        %swap3A_268 = vector.shape_cast %swap3A_267 : vector<16xf32> to vector<16xf32>
        %swap3A_269 = vector.shape_cast %add3A_257 : vector<16xf32> to vector<16xf32>
        tpu.vector_store %arg15[%swap3A], %swap3A_269 {strides = array<i32>} : memref<1024xf32, #tpu.memory_space<vmem>>, vector<16xf32>,
        %mul3A_270 = arith.constant 16 : i32
        %mul3A_271 = arith.muli %add3A_115, %mul3A_270 : i32
        %swap3A_272 = arith.index_cast %mul3A_271 : i32 to index
        %swap3A_273 = tpu.vector_load %arg16[%swap3A_272] {strides = array<i32>} : memref<1024xf32, #tpu.memory_space<vmem>>, vector<16xf32>,
        %swap3A_274 = vector.shape_cast %swap3A_273 : vector<16xf32> to vector<16xf32>
        %swap3A_275 = vector.shape_cast %add3A_264 : vector<16xf32> to vector<16xf32>
        tpu.vector_store %arg16[%swap3A_272], %swap3A_275 {strides = array<i32>} : memref<1024xf32, #tpu.memory_space<vmem>>, vector<16xf32>,
        %mul3A_276 = arith.constant 2 : i32
        %mul3A_277 = arith.muli %scan3A_111, %mul3A_276 : i32
        %add3A_278 = arith.constant 1 : i32
        %add3A_279 = arith.addi %mul3A_277, %add3A_278 : i32
        %get3A_280 = arith.index_cast %rem3A_87 : i32 to index
        %get3A_281 = arith.index_cast %add3A_279 : i32 to index
        %get3A_282 = arith.constant 0 : index
        %get3A_283 = tpu.vector_load %arg12[%get3A_280, %get3A_281, %get3A_282] {strides = array<i32>} : memref<2x64x128xf32, #tpu.memory_space<vmem>>, vector<1x1x16xf32>,
        %get3A_284 = vector.shape_cast %get3A_283 : vector<1x1x16xf32> to vector<16xf32>
        %get3A_285 = arith.index_cast %rem3A_87 : i32 to index
        %get3A_286 = arith.index_cast %add3A_279 : i32 to index
        %get3A_287 = arith.constant 16 : index
        %get3A_288 = tpu.vector_load %arg12[%get3A_285, %get3A_286, %get3A_287] {strides = array<i32>} : memref<2x64x128xf32, #tpu.memory_space<vmem>>, vector<1x1x16xf32>,
        %get3A_289 = vector.shape_cast %get3A_288 : vector<1x1x16xf32> to vector<16xf32>
        %get3A_290 = arith.index_cast %rem3A_87 : i32 to index
        %get3A_291 = arith.index_cast %add3A_279 : i32 to index
        %get3A_292 = arith.constant 32 : index
        %get3A_293 = tpu.vector_load %arg12[%get3A_290, %get3A_291, %get3A_292] {strides = array<i32>} : memref<2x64x128xf32, #tpu.memory_space<vmem>>, vector<1x1x16xf32>,
        %get3A_294 = vector.shape_cast %get3A_293 : vector<1x1x16xf32> to vector<16xf32>
        %get3A_295 = arith.index_cast %rem3A_87 : i32 to index
        %get3A_296 = arith.index_cast %add3A_279 : i32 to index
        %get3A_297 = arith.constant 48 : index
        %get3A_298 = tpu.vector_load %arg12[%get3A_295, %get3A_296, %get3A_297] {strides = array<i32>} : memref<2x64x128xf32, #tpu.memory_space<vmem>>, vector<1x1x16xf32>,
        %get3A_299 = vector.shape_cast %get3A_298 : vector<1x1x16xf32> to vector<16xf32>
        %get3A_300 = arith.index_cast %rem3A_87 : i32 to index
        %get3A_301 = arith.index_cast %add3A_279 : i32 to index
        %get3A_302 = arith.constant 64 : index
        %get3A_303 = tpu.vector_load %arg12[%get3A_300, %get3A_301, %get3A_302] {strides = array<i32>} : memref<2x64x128xf32, #tpu.memory_space<vmem>>, vector<1x1x16xf32>,
        %get3A_304 = vector.shape_cast %get3A_303 : vector<1x1x16xf32> to vector<16xf32>
        %get3A_305 = arith.index_cast %rem3A_87 : i32 to index
        %get3A_306 = arith.index_cast %add3A_279 : i32 to index
        %get3A_307 = arith.constant 80 : index
        %get3A_308 = tpu.vector_load %arg12[%get3A_305, %get3A_306, %get3A_307] {strides = array<i32>} : memref<2x64x128xf32, #tpu.memory_space<vmem>>, vector<1x1x16xf32>,
        %get3A_309 = vector.shape_cast %get3A_308 : vector<1x1x16xf32> to vector<16xf32>
        %get3A_310 = arith.index_cast %rem3A_87 : i32 to index
        %get3A_311 = arith.index_cast %add3A_279 : i32 to index
        %get3A_312 = arith.constant 96 : index
        %get3A_313 = tpu.vector_load %arg12[%get3A_310, %get3A_311, %get3A_312] {strides = array<i32>} : memref<2x64x128xf32, #tpu.memory_space<vmem>>, vector<1x1x16xf32>,
        %get3A_314 = vector.shape_cast %get3A_313 : vector<1x1x16xf32> to vector<16xf32>
        %get3A_315 = arith.index_cast %rem3A_87 : i32 to index
        %get3A_316 = arith.index_cast %add3A_279 : i32 to index
        %get3A_317 = arith.constant 112 : index
        %get3A_318 = tpu.vector_load %arg12[%get3A_315, %get3A_316, %get3A_317] {strides = array<i32>} : memref<2x64x128xf32, #tpu.memory_space<vmem>>, vector<1x1x16xf32>,
        %get3A_319 = vector.shape_cast %get3A_318 : vector<1x1x16xf32> to vector<16xf32>
        %get3A_320 = arith.index_cast %rem3A_87 : i32 to index
        %get3A_321 = arith.index_cast %add3A_279 : i32 to index
        %get3A_322 = arith.constant 0 : index
        %get3A_323 = tpu.vector_load %arg13[%get3A_320, %get3A_321, %get3A_322] {strides = array<i32>} : memref<2x64x128xf32, #tpu.memory_space<vmem>>, vector<1x1x16xf32>,
        %get3A_324 = vector.shape_cast %get3A_323 : vector<1x1x16xf32> to vector<16xf32>
        %get3A_325 = arith.index_cast %rem3A_87 : i32 to index
        %get3A_326 = arith.index_cast %add3A_279 : i32 to index
        %get3A_327 = arith.constant 16 : index
        %get3A_328 = tpu.vector_load %arg13[%get3A_325, %get3A_326, %get3A_327] {strides = array<i32>} : memref<2x64x128xf32, #tpu.memory_space<vmem>>, vector<1x1x16xf32>,
        %get3A_329 = vector.shape_cast %get3A_328 : vector<1x1x16xf32> to vector<16xf32>
        %get3A_330 = arith.index_cast %rem3A_87 : i32 to index
        %get3A_331 = arith.index_cast %add3A_279 : i32 to index
        %get3A_332 = arith.constant 32 : index
        %get3A_333 = tpu.vector_load %arg13[%get3A_330, %get3A_331, %get3A_332] {strides = array<i32>} : memref<2x64x128xf32, #tpu.memory_space<vmem>>, vector<1x1x16xf32>,
        %get3A_334 = vector.shape_cast %get3A_333 : vector<1x1x16xf32> to vector<16xf32>
        %get3A_335 = arith.index_cast %rem3A_87 : i32 to index
        %get3A_336 = arith.index_cast %add3A_279 : i32 to index
        %get3A_337 = arith.constant 48 : index
        %get3A_338 = tpu.vector_load %arg13[%get3A_335, %get3A_336, %get3A_337] {strides = array<i32>} : memref<2x64x128xf32, #tpu.memory_space<vmem>>, vector<1x1x16xf32>,
        %get3A_339 = vector.shape_cast %get3A_338 : vector<1x1x16xf32> to vector<16xf32>
        %get3A_340 = arith.index_cast %rem3A_87 : i32 to index
        %get3A_341 = arith.index_cast %add3A_279 : i32 to index
        %get3A_342 = arith.constant 64 : index
        %get3A_343 = tpu.vector_load %arg13[%get3A_340, %get3A_341, %get3A_342] {strides = array<i32>} : memref<2x64x128xf32, #tpu.memory_space<vmem>>, vector<1x1x16xf32>,
        %get3A_344 = vector.shape_cast %get3A_343 : vector<1x1x16xf32> to vector<16xf32>
        %get3A_345 = arith.index_cast %rem3A_87 : i32 to index
        %get3A_346 = arith.index_cast %add3A_279 : i32 to index
        %get3A_347 = arith.constant 80 : index
        %get3A_348 = tpu.vector_load %arg13[%get3A_345, %get3A_346, %get3A_347] {strides = array<i32>} : memref<2x64x128xf32, #tpu.memory_space<vmem>>, vector<1x1x16xf32>,
        %get3A_349 = vector.shape_cast %get3A_348 : vector<1x1x16xf32> to vector<16xf32>
        %get3A_350 = arith.index_cast %rem3A_87 : i32 to index
        %get3A_351 = arith.index_cast %add3A_279 : i32 to index
        %get3A_352 = arith.constant 96 : index
        %get3A_353 = tpu.vector_load %arg13[%get3A_350, %get3A_351, %get3A_352] {strides = array<i32>} : memref<2x64x128xf32, #tpu.memory_space<vmem>>, vector<1x1x16xf32>,
        %get3A_354 = vector.shape_cast %get3A_353 : vector<1x1x16xf32> to vector<16xf32>
        %get3A_355 = arith.index_cast %rem3A_87 : i32 to index
        %get3A_356 = arith.index_cast %add3A_279 : i32 to index
        %get3A_357 = arith.constant 112 : index
        %get3A_358 = tpu.vector_load %arg13[%get3A_355, %get3A_356, %get3A_357] {strides = array<i32>} : memref<2x64x128xf32, #tpu.memory_space<vmem>>, vector<1x1x16xf32>,
        %get3A_359 = vector.shape_cast %get3A_358 : vector<1x1x16xf32> to vector<16xf32>
        %get3A_360 = arith.index_cast %rem3A_87 : i32 to index
        %get3A_361 = arith.index_cast %add3A_279 : i32 to index
        %get3A_362 = arith.constant 0 : index
        %get3A_363 = tpu.vector_load %arg14[%get3A_360, %get3A_361, %get3A_362] {strides = array<i32>} : memref<2x64x128xf32, #tpu.memory_space<vmem>>, vector<1x1x16xf32>,
        %get3A_364 = vector.shape_cast %get3A_363 : vector<1x1x16xf32> to vector<16xf32>
        %get3A_365 = arith.index_cast %rem3A_87 : i32 to index
        %get3A_366 = arith.index_cast %add3A_279 : i32 to index
        %get3A_367 = arith.constant 16 : index
        %get3A_368 = tpu.vector_load %arg14[%get3A_365, %get3A_366, %get3A_367] {strides = array<i32>} : memref<2x64x128xf32, #tpu.memory_space<vmem>>, vector<1x1x16xf32>,
        %get3A_369 = vector.shape_cast %get3A_368 : vector<1x1x16xf32> to vector<16xf32>
        %get3A_370 = arith.index_cast %rem3A_87 : i32 to index
        %get3A_371 = arith.index_cast %add3A_279 : i32 to index
        %get3A_372 = arith.constant 32 : index
        %get3A_373 = tpu.vector_load %arg14[%get3A_370, %get3A_371, %get3A_372] {strides = array<i32>} : memref<2x64x128xf32, #tpu.memory_space<vmem>>, vector<1x1x16xf32>,
        %get3A_374 = vector.shape_cast %get3A_373 : vector<1x1x16xf32> to vector<16xf32>
        %get3A_375 = arith.index_cast %rem3A_87 : i32 to index
        %get3A_376 = arith.index_cast %add3A_279 : i32 to index
        %get3A_377 = arith.constant 48 : index
        %get3A_378 = tpu.vector_load %arg14[%get3A_375, %get3A_376, %get3A_377] {strides = array<i32>} : memref<2x64x128xf32, #tpu.memory_space<vmem>>, vector<1x1x16xf32>,
        %get3A_379 = vector.shape_cast %get3A_378 : vector<1x1x16xf32> to vector<16xf32>
        %get3A_380 = arith.index_cast %rem3A_87 : i32 to index
        %get3A_381 = arith.index_cast %add3A_279 : i32 to index
        %get3A_382 = arith.constant 64 : index
        %get3A_383 = tpu.vector_load %arg14[%get3A_380, %get3A_381, %get3A_382] {strides = array<i32>} : memref<2x64x128xf32, #tpu.memory_space<vmem>>, vector<1x1x16xf32>,
        %get3A_384 = vector.shape_cast %get3A_383 : vector<1x1x16xf32> to vector<16xf32>
        %get3A_385 = arith.index_cast %rem3A_87 : i32 to index
        %get3A_386 = arith.index_cast %add3A_279 : i32 to index
        %get3A_387 = arith.constant 80 : index
        %get3A_388 = tpu.vector_load %arg14[%get3A_385, %get3A_386, %get3A_387] {strides = array<i32>} : memref<2x64x128xf32, #tpu.memory_space<vmem>>, vector<1x1x16xf32>,
        %get3A_389 = vector.shape_cast %get3A_388 : vector<1x1x16xf32> to vector<16xf32>
        %get3A_390 = arith.index_cast %rem3A_87 : i32 to index
        %get3A_391 = arith.index_cast %add3A_279 : i32 to index
        %get3A_392 = arith.constant 96 : index
        %get3A_393 = tpu.vector_load %arg14[%get3A_390, %get3A_391, %get3A_392] {strides = array<i32>} : memref<2x64x128xf32, #tpu.memory_space<vmem>>, vector<1x1x16xf32>,
        %get3A_394 = vector.shape_cast %get3A_393 : vector<1x1x16xf32> to vector<16xf32>
        %get3A_395 = arith.index_cast %rem3A_87 : i32 to index
        %get3A_396 = arith.index_cast %add3A_279 : i32 to index
        %get3A_397 = arith.constant 112 : index
        %get3A_398 = tpu.vector_load %arg14[%get3A_395, %get3A_396, %get3A_397] {strides = array<i32>} : memref<2x64x128xf32, #tpu.memory_space<vmem>>, vector<1x1x16xf32>,
        %get3A_399 = vector.shape_cast %get3A_398 : vector<1x1x16xf32> to vector<16xf32>
        %mul3A_400 = arith.mulf %get3A_284, %get3A_324 : vector<16xf32>
        %mul3A_401 = arith.mulf %get3A_289, %get3A_329 : vector<16xf32>
        %mul3A_402 = arith.mulf %get3A_294, %get3A_334 : vector<16xf32>
        %mul3A_403 = arith.mulf %get3A_299, %get3A_339 : vector<16xf32>
        %mul3A_404 = arith.mulf %get3A_304, %get3A_344 : vector<16xf32>
        %mul3A_405 = arith.mulf %get3A_309, %get3A_349 : vector<16xf32>
        %mul3A_406 = arith.mulf %get3A_314, %get3A_354 : vector<16xf32>
        %mul3A_407 = arith.mulf %get3A_319, %get3A_359 : vector<16xf32>
        %mul3A_408 = arith.mulf %get3A_284, %get3A_364 : vector<16xf32>
        %mul3A_409 = arith.mulf %get3A_289, %get3A_369 : vector<16xf32>
        %mul3A_410 = arith.mulf %get3A_294, %get3A_374 : vector<16xf32>
        %mul3A_411 = arith.mulf %get3A_299, %get3A_379 : vector<16xf32>
        %mul3A_412 = arith.mulf %get3A_304, %get3A_384 : vector<16xf32>
        %mul3A_413 = arith.mulf %get3A_309, %get3A_389 : vector<16xf32>
        %mul3A_414 = arith.mulf %get3A_314, %get3A_394 : vector<16xf32>
        %mul3A_415 = arith.mulf %get3A_319, %get3A_399 : vector<16xf32>
        %add3A_416 = arith.addf %mul3A_400, %mul3A_401 : vector<16xf32>
        %add3A_417 = arith.addf %mul3A_402, %mul3A_403 : vector<16xf32>
        %add3A_418 = arith.addf %add3A_416, %add3A_417 : vector<16xf32>
        %add3A_419 = arith.addf %mul3A_404, %mul3A_405 : vector<16xf32>
        %add3A_420 = arith.addf %mul3A_406, %mul3A_407 : vector<16xf32>
        %add3A_421 = arith.addf %add3A_419, %add3A_420 : vector<16xf32>
        %add3A_422 = arith.addf %add3A_418, %add3A_421 : vector<16xf32>
        %add3A_423 = arith.addf %mul3A_408, %mul3A_409 : vector<16xf32>
        %add3A_424 = arith.addf %mul3A_410, %mul3A_411 : vector<16xf32>
        %add3A_425 = arith.addf %add3A_423, %add3A_424 : vector<16xf32>
        %add3A_426 = arith.addf %mul3A_412, %mul3A_413 : vector<16xf32>
        %add3A_427 = arith.addf %mul3A_414, %mul3A_415 : vector<16xf32>
        %add3A_428 = arith.addf %add3A_426, %add3A_427 : vector<16xf32>
        %add3A_429 = arith.addf %add3A_425, %add3A_428 : vector<16xf32>
        %mul3A_430 = arith.constant 16 : i32
        %mul3A_431 = arith.muli %add3A_279, %mul3A_430 : i32
        %swap3A_432 = arith.index_cast %mul3A_431 : i32 to index
        %swap3A_433 = tpu.vector_load %arg15[%swap3A_432] {strides = array<i32>} : memref<1024xf32, #tpu.memory_space<vmem>>, vector<16xf32>,
        %swap3A_434 = vector.shape_cast %swap3A_433 : vector<16xf32> to vector<16xf32>
        %swap3A_435 = vector.shape_cast %add3A_422 : vector<16xf32> to vector<16xf32>
        tpu.vector_store %arg15[%swap3A_432], %swap3A_435 {strides = array<i32>} : memref<1024xf32, #tpu.memory_space<vmem>>, vector<16xf32>,
        %mul3A_436 = arith.constant 16 : i32
        %mul3A_437 = arith.muli %add3A_279, %mul3A_436 : i32
        %swap3A_438 = arith.index_cast %mul3A_437 : i32 to index
        %swap3A_439 = tpu.vector_load %arg16[%swap3A_438] {strides = array<i32>} : memref<1024xf32, #tpu.memory_space<vmem>>, vector<16xf32>,
        %swap3A_440 = vector.shape_cast %swap3A_439 : vector<16xf32> to vector<16xf32>
        %swap3A_441 = vector.shape_cast %add3A_429 : vector<16xf32> to vector<16xf32>
        tpu.vector_store %arg16[%swap3A_438], %swap3A_441 {strides = array<i32>} : memref<1024xf32, #tpu.memory_space<vmem>>, vector<16xf32>,
      }
      %scan3A_100 = arith.constant 32 : i32
      %scan3A_101 = arith.constant 0 : i32
      %scan3A_102 = arith.constant 0 : i32
      %scan3A_103 = arith.constant 4 : i32
      %scan3A_104 = arith.addi %scan3A_102, %scan3A_103 : i32
      %scan3A_105 = arith.constant 1 : i32
      scf.for %scan3A_111 = %scan3A_102 to %scan3A_104 step %scan3A_105  : i32 {
        %mul3A_112 = arith.constant 16 : i32
        %mul3A_113 = arith.muli %scan3A_111, %mul3A_112 : i32
        %add3A_114 = arith.constant 0 : i32
        %add3A_115 = arith.addi %mul3A_113, %add3A_114 : i32
        %mul3A_116 = arith.constant 16 : i32
        %mul3A_117 = arith.muli %add3A_115, %mul3A_116 : i32
        %get3A = arith.index_cast %mul3A_117 : i32 to index
        %get3A_118 = tpu.vector_load %arg15[%get3A] {strides = array<i32>} : memref<1024xf32, #tpu.memory_space<vmem>>, vector<16xf32>,
        %get3A_119 = vector.shape_cast %get3A_118 : vector<16xf32> to vector<16xf32>
        %add3A_120 = arith.constant 8 : i32
        %add3A_121 = arith.addi %mul3A_113, %add3A_120 : i32
        %mul3A_122 = arith.constant 16 : i32
        %mul3A_123 = arith.muli %add3A_121, %mul3A_122 : i32
        %get3A_124 = arith.index_cast %mul3A_123 : i32 to index
        %get3A_125 = tpu.vector_load %arg15[%get3A_124] {strides = array<i32>} : memref<1024xf32, #tpu.memory_space<vmem>>, vector<16xf32>,
        %get3A_126 = vector.shape_cast %get3A_125 : vector<16xf32> to vector<16xf32>
        %and3A = arith.constant 8 : i32
        %and3A_127 = vector.broadcast %and3A : i32 to vector<16xi32>
        %and3A_128 = arith.andi %iota3A, %and3A_127 : vector<16xi32>
        %eq3A_129 = arith.constant 0 : i32
        %eq3A_130 = vector.broadcast %eq3A_129 : i32 to vector<16xi32>
        %eq3A_131 = arith.cmpi eq, %and3A_128, %eq3A_130 : vector<16xi32>
        %select_n3A = arith.select %eq3A_131, %get3A_119, %get3A_126 : vector<16xi1>, vector<16xf32>
        %select_n3A_132 = arith.select %eq3A_131, %get3A_126, %get3A_119 : vector<16xi1>, vector<16xf32>
        %xor3A = arith.constant 8 : i32
        %xor3A_133 = vector.broadcast %xor3A : i32 to vector<16xi32>
        %xor3A_134 = arith.xori %iota3A, %xor3A_133 : vector<16xi32>
        %broadcast_in_dim3A = vector.shape_cast %xor3A_134 : vector<16xi32> to vector<16x1xi32>
        %gather3A = vector.shape_cast %broadcast_in_dim3A : vector<16x1xi32> to vector<16xi32>
        %gather3A_135 = tpu.dynamic_gather %select_n3A_132[%gather3A] in [0] : vector<16xf32>, vector<16xi32> -> vector<16xf32>
        %add3A_136 = arith.addf %select_n3A, %gather3A_135 : vector<16xf32>
        %add3A_137 = arith.constant 4 : i32
        %add3A_138 = arith.addi %mul3A_113, %add3A_137 : i32
        %mul3A_139 = arith.constant 16 : i32
        %mul3A_140 = arith.muli %add3A_138, %mul3A_139 : i32
        %get3A_141 = arith.index_cast %mul3A_140 : i32 to index
        %get3A_142 = tpu.vector_load %arg15[%get3A_141] {strides = array<i32>} : memref<1024xf32, #tpu.memory_space<vmem>>, vector<16xf32>,
        %get3A_143 = vector.shape_cast %get3A_142 : vector<16xf32> to vector<16xf32>
        %add3A_144 = arith.constant 12 : i32
        %add3A_145 = arith.addi %mul3A_113, %add3A_144 : i32
        %mul3A_146 = arith.constant 16 : i32
        %mul3A_147 = arith.muli %add3A_145, %mul3A_146 : i32
        %get3A_148 = arith.index_cast %mul3A_147 : i32 to index
        %get3A_149 = tpu.vector_load %arg15[%get3A_148] {strides = array<i32>} : memref<1024xf32, #tpu.memory_space<vmem>>, vector<16xf32>,
        %get3A_150 = vector.shape_cast %get3A_149 : vector<16xf32> to vector<16xf32>
        %and3A_151 = arith.constant 8 : i32
        %and3A_152 = vector.broadcast %and3A_151 : i32 to vector<16xi32>
        %and3A_153 = arith.andi %iota3A, %and3A_152 : vector<16xi32>
        %eq3A_154 = arith.constant 0 : i32
        %eq3A_155 = vector.broadcast %eq3A_154 : i32 to vector<16xi32>
        %eq3A_156 = arith.cmpi eq, %and3A_153, %eq3A_155 : vector<16xi32>
        %select_n3A_157 = arith.select %eq3A_156, %get3A_143, %get3A_150 : vector<16xi1>, vector<16xf32>
        %select_n3A_158 = arith.select %eq3A_156, %get3A_150, %get3A_143 : vector<16xi1>, vector<16xf32>
        %xor3A_159 = arith.constant 8 : i32
        %xor3A_160 = vector.broadcast %xor3A_159 : i32 to vector<16xi32>
        %xor3A_161 = arith.xori %iota3A, %xor3A_160 : vector<16xi32>
        %broadcast_in_dim3A_162 = vector.shape_cast %xor3A_161 : vector<16xi32> to vector<16x1xi32>
        %gather3A_163 = vector.shape_cast %broadcast_in_dim3A_162 : vector<16x1xi32> to vector<16xi32>
        %gather3A_164 = tpu.dynamic_gather %select_n3A_158[%gather3A_163] in [0] : vector<16xf32>, vector<16xi32> -> vector<16xf32>
        %add3A_165 = arith.addf %select_n3A_157, %gather3A_164 : vector<16xf32>
        %and3A_166 = arith.constant 4 : i32
        %and3A_167 = vector.broadcast %and3A_166 : i32 to vector<16xi32>
        %and3A_168 = arith.andi %iota3A, %and3A_167 : vector<16xi32>
        %eq3A_169 = arith.constant 0 : i32
        %eq3A_170 = vector.broadcast %eq3A_169 : i32 to vector<16xi32>
        %eq3A_171 = arith.cmpi eq, %and3A_168, %eq3A_170 : vector<16xi32>
        %select_n3A_172 = arith.select %eq3A_171, %add3A_136, %add3A_165 : vector<16xi1>, vector<16xf32>
        %select_n3A_173 = arith.select %eq3A_171, %add3A_165, %add3A_136 : vector<16xi1>, vector<16xf32>
        %xor3A_174 = arith.constant 4 : i32
        %xor3A_175 = vector.broadcast %xor3A_174 : i32 to vector<16xi32>
        %xor3A_176 = arith.xori %iota3A, %xor3A_175 : vector<16xi32>
        %broadcast_in_dim3A_177 = vector.shape_cast %xor3A_176 : vector<16xi32> to vector<16x1xi32>
        %gather3A_178 = vector.shape_cast %broadcast_in_dim3A_177 : vector<16x1xi32> to vector<16xi32>
        %gather3A_179 = tpu.dynamic_gather %select_n3A_173[%gather3A_178] in [0] : vector<16xf32>, vector<16xi32> -> vector<16xf32>
        %add3A_180 = arith.addf %select_n3A_172, %gather3A_179 : vector<16xf32>
        %add3A_181 = arith.constant 2 : i32
        %add3A_182 = arith.addi %mul3A_113, %add3A_181 : i32
        %mul3A_183 = arith.constant 16 : i32
        %mul3A_184 = arith.muli %add3A_182, %mul3A_183 : i32
        %get3A_185 = arith.index_cast %mul3A_184 : i32 to index
        %get3A_186 = tpu.vector_load %arg15[%get3A_185] {strides = array<i32>} : memref<1024xf32, #tpu.memory_space<vmem>>, vector<16xf32>,
        %get3A_187 = vector.shape_cast %get3A_186 : vector<16xf32> to vector<16xf32>
        %add3A_188 = arith.constant 10 : i32
        %add3A_189 = arith.addi %mul3A_113, %add3A_188 : i32
        %mul3A_190 = arith.constant 16 : i32
        %mul3A_191 = arith.muli %add3A_189, %mul3A_190 : i32
        %get3A_192 = arith.index_cast %mul3A_191 : i32 to index
        %get3A_193 = tpu.vector_load %arg15[%get3A_192] {strides = array<i32>} : memref<1024xf32, #tpu.memory_space<vmem>>, vector<16xf32>,
        %get3A_194 = vector.shape_cast %get3A_193 : vector<16xf32> to vector<16xf32>
        %and3A_195 = arith.constant 8 : i32
        %and3A_196 = vector.broadcast %and3A_195 : i32 to vector<16xi32>
        %and3A_197 = arith.andi %iota3A, %and3A_196 : vector<16xi32>
        %eq3A_198 = arith.constant 0 : i32
        %eq3A_199 = vector.broadcast %eq3A_198 : i32 to vector<16xi32>
        %eq3A_200 = arith.cmpi eq, %and3A_197, %eq3A_199 : vector<16xi32>
        %select_n3A_201 = arith.select %eq3A_200, %get3A_187, %get3A_194 : vector<16xi1>, vector<16xf32>
        %select_n3A_202 = arith.select %eq3A_200, %get3A_194, %get3A_187 : vector<16xi1>, vector<16xf32>
        %xor3A_203 = arith.constant 8 : i32
        %xor3A_204 = vector.broadcast %xor3A_203 : i32 to vector<16xi32>
        %xor3A_205 = arith.xori %iota3A, %xor3A_204 : vector<16xi32>
        %broadcast_in_dim3A_206 = vector.shape_cast %xor3A_205 : vector<16xi32> to vector<16x1xi32>
        %gather3A_207 = vector.shape_cast %broadcast_in_dim3A_206 : vector<16x1xi32> to vector<16xi32>
        %gather3A_208 = tpu.dynamic_gather %select_n3A_202[%gather3A_207] in [0] : vector<16xf32>, vector<16xi32> -> vector<16xf32>
        %add3A_209 = arith.addf %select_n3A_201, %gather3A_208 : vector<16xf32>
        %add3A_210 = arith.constant 6 : i32
        %add3A_211 = arith.addi %mul3A_113, %add3A_210 : i32
        %mul3A_212 = arith.constant 16 : i32
        %mul3A_213 = arith.muli %add3A_211, %mul3A_212 : i32
        %get3A_214 = arith.index_cast %mul3A_213 : i32 to index
        %get3A_215 = tpu.vector_load %arg15[%get3A_214] {strides = array<i32>} : memref<1024xf32, #tpu.memory_space<vmem>>, vector<16xf32>,
        %get3A_216 = vector.shape_cast %get3A_215 : vector<16xf32> to vector<16xf32>
        %add3A_217 = arith.constant 14 : i32
        %add3A_218 = arith.addi %mul3A_113, %add3A_217 : i32
        %mul3A_219 = arith.constant 16 : i32
        %mul3A_220 = arith.muli %add3A_218, %mul3A_219 : i32
        %get3A_221 = arith.index_cast %mul3A_220 : i32 to index
        %get3A_222 = tpu.vector_load %arg15[%get3A_221] {strides = array<i32>} : memref<1024xf32, #tpu.memory_space<vmem>>, vector<16xf32>,
        %get3A_223 = vector.shape_cast %get3A_222 : vector<16xf32> to vector<16xf32>
        %and3A_224 = arith.constant 8 : i32
        %and3A_225 = vector.broadcast %and3A_224 : i32 to vector<16xi32>
        %and3A_226 = arith.andi %iota3A, %and3A_225 : vector<16xi32>
        %eq3A_227 = arith.constant 0 : i32
        %eq3A_228 = vector.broadcast %eq3A_227 : i32 to vector<16xi32>
        %eq3A_229 = arith.cmpi eq, %and3A_226, %eq3A_228 : vector<16xi32>
        %select_n3A_230 = arith.select %eq3A_229, %get3A_216, %get3A_223 : vector<16xi1>, vector<16xf32>
        %select_n3A_231 = arith.select %eq3A_229, %get3A_223, %get3A_216 : vector<16xi1>, vector<16xf32>
        %xor3A_232 = arith.constant 8 : i32
        %xor3A_233 = vector.broadcast %xor3A_232 : i32 to vector<16xi32>
        %xor3A_234 = arith.xori %iota3A, %xor3A_233 : vector<16xi32>
        %broadcast_in_dim3A_235 = vector.shape_cast %xor3A_234 : vector<16xi32> to vector<16x1xi32>
        %gather3A_236 = vector.shape_cast %broadcast_in_dim3A_235 : vector<16x1xi32> to vector<16xi32>
        %gather3A_237 = tpu.dynamic_gather %select_n3A_231[%gather3A_236] in [0] : vector<16xf32>, vector<16xi32> -> vector<16xf32>
        %add3A_238 = arith.addf %select_n3A_230, %gather3A_237 : vector<16xf32>
        %and3A_239 = arith.constant 4 : i32
        %and3A_240 = vector.broadcast %and3A_239 : i32 to vector<16xi32>
        %and3A_241 = arith.andi %iota3A, %and3A_240 : vector<16xi32>
        %eq3A_242 = arith.constant 0 : i32
        %eq3A_243 = vector.broadcast %eq3A_242 : i32 to vector<16xi32>
        %eq3A_244 = arith.cmpi eq, %and3A_241, %eq3A_243 : vector<16xi32>
        %select_n3A_245 = arith.select %eq3A_244, %add3A_209, %add3A_238 : vector<16xi1>, vector<16xf32>
        %select_n3A_246 = arith.select %eq3A_244, %add3A_238, %add3A_209 : vector<16xi1>, vector<16xf32>
        %xor3A_247 = arith.constant 4 : i32
        %xor3A_248 = vector.broadcast %xor3A_247 : i32 to vector<16xi32>
        %xor3A_249 = arith.xori %iota3A, %xor3A_248 : vector<16xi32>
        %broadcast_in_dim3A_250 = vector.shape_cast %xor3A_249 : vector<16xi32> to vector<16x1xi32>
        %gather3A_251 = vector.shape_cast %broadcast_in_dim3A_250 : vector<16x1xi32> to vector<16xi32>
        %gather3A_252 = tpu.dynamic_gather %select_n3A_246[%gather3A_251] in [0] : vector<16xf32>, vector<16xi32> -> vector<16xf32>
        %add3A_253 = arith.addf %select_n3A_245, %gather3A_252 : vector<16xf32>
        %and3A_254 = arith.constant 2 : i32
        %and3A_255 = vector.broadcast %and3A_254 : i32 to vector<16xi32>
        %and3A_256 = arith.andi %iota3A, %and3A_255 : vector<16xi32>
        %eq3A_257 = arith.constant 0 : i32
        %eq3A_258 = vector.broadcast %eq3A_257 : i32 to vector<16xi32>
        %eq3A_259 = arith.cmpi eq, %and3A_256, %eq3A_258 : vector<16xi32>
        %select_n3A_260 = arith.select %eq3A_259, %add3A_180, %add3A_253 : vector<16xi1>, vector<16xf32>
        %select_n3A_261 = arith.select %eq3A_259, %add3A_253, %add3A_180 : vector<16xi1>, vector<16xf32>
        %xor3A_262 = arith.constant 2 : i32
        %xor3A_263 = vector.broadcast %xor3A_262 : i32 to vector<16xi32>
        %xor3A_264 = arith.xori %iota3A, %xor3A_263 : vector<16xi32>
        %broadcast_in_dim3A_265 = vector.shape_cast %xor3A_264 : vector<16xi32> to vector<16x1xi32>
        %gather3A_266 = vector.shape_cast %broadcast_in_dim3A_265 : vector<16x1xi32> to vector<16xi32>
        %gather3A_267 = tpu.dynamic_gather %select_n3A_261[%gather3A_266] in [0] : vector<16xf32>, vector<16xi32> -> vector<16xf32>
        %add3A_268 = arith.addf %select_n3A_260, %gather3A_267 : vector<16xf32>
        %add3A_269 = arith.constant 1 : i32
        %add3A_270 = arith.addi %mul3A_113, %add3A_269 : i32
        %mul3A_271 = arith.constant 16 : i32
        %mul3A_272 = arith.muli %add3A_270, %mul3A_271 : i32
        %get3A_273 = arith.index_cast %mul3A_272 : i32 to index
        %get3A_274 = tpu.vector_load %arg15[%get3A_273] {strides = array<i32>} : memref<1024xf32, #tpu.memory_space<vmem>>, vector<16xf32>,
        %get3A_275 = vector.shape_cast %get3A_274 : vector<16xf32> to vector<16xf32>
        %add3A_276 = arith.constant 9 : i32
        %add3A_277 = arith.addi %mul3A_113, %add3A_276 : i32
        %mul3A_278 = arith.constant 16 : i32
        %mul3A_279 = arith.muli %add3A_277, %mul3A_278 : i32
        %get3A_280 = arith.index_cast %mul3A_279 : i32 to index
        %get3A_281 = tpu.vector_load %arg15[%get3A_280] {strides = array<i32>} : memref<1024xf32, #tpu.memory_space<vmem>>, vector<16xf32>,
        %get3A_282 = vector.shape_cast %get3A_281 : vector<16xf32> to vector<16xf32>
        %and3A_283 = arith.constant 8 : i32
        %and3A_284 = vector.broadcast %and3A_283 : i32 to vector<16xi32>
        %and3A_285 = arith.andi %iota3A, %and3A_284 : vector<16xi32>
        %eq3A_286 = arith.constant 0 : i32
        %eq3A_287 = vector.broadcast %eq3A_286 : i32 to vector<16xi32>
        %eq3A_288 = arith.cmpi eq, %and3A_285, %eq3A_287 : vector<16xi32>
        %select_n3A_289 = arith.select %eq3A_288, %get3A_275, %get3A_282 : vector<16xi1>, vector<16xf32>
        %select_n3A_290 = arith.select %eq3A_288, %get3A_282, %get3A_275 : vector<16xi1>, vector<16xf32>
        %xor3A_291 = arith.constant 8 : i32
        %xor3A_292 = vector.broadcast %xor3A_291 : i32 to vector<16xi32>
        %xor3A_293 = arith.xori %iota3A, %xor3A_292 : vector<16xi32>
        %broadcast_in_dim3A_294 = vector.shape_cast %xor3A_293 : vector<16xi32> to vector<16x1xi32>
        %gather3A_295 = vector.shape_cast %broadcast_in_dim3A_294 : vector<16x1xi32> to vector<16xi32>
        %gather3A_296 = tpu.dynamic_gather %select_n3A_290[%gather3A_295] in [0] : vector<16xf32>, vector<16xi32> -> vector<16xf32>
        %add3A_297 = arith.addf %select_n3A_289, %gather3A_296 : vector<16xf32>
        %add3A_298 = arith.constant 5 : i32
        %add3A_299 = arith.addi %mul3A_113, %add3A_298 : i32
        %mul3A_300 = arith.constant 16 : i32
        %mul3A_301 = arith.muli %add3A_299, %mul3A_300 : i32
        %get3A_302 = arith.index_cast %mul3A_301 : i32 to index
        %get3A_303 = tpu.vector_load %arg15[%get3A_302] {strides = array<i32>} : memref<1024xf32, #tpu.memory_space<vmem>>, vector<16xf32>,
        %get3A_304 = vector.shape_cast %get3A_303 : vector<16xf32> to vector<16xf32>
        %add3A_305 = arith.constant 13 : i32
        %add3A_306 = arith.addi %mul3A_113, %add3A_305 : i32
        %mul3A_307 = arith.constant 16 : i32
        %mul3A_308 = arith.muli %add3A_306, %mul3A_307 : i32
        %get3A_309 = arith.index_cast %mul3A_308 : i32 to index
        %get3A_310 = tpu.vector_load %arg15[%get3A_309] {strides = array<i32>} : memref<1024xf32, #tpu.memory_space<vmem>>, vector<16xf32>,
        %get3A_311 = vector.shape_cast %get3A_310 : vector<16xf32> to vector<16xf32>
        %and3A_312 = arith.constant 8 : i32
        %and3A_313 = vector.broadcast %and3A_312 : i32 to vector<16xi32>
        %and3A_314 = arith.andi %iota3A, %and3A_313 : vector<16xi32>
        %eq3A_315 = arith.constant 0 : i32
        %eq3A_316 = vector.broadcast %eq3A_315 : i32 to vector<16xi32>
        %eq3A_317 = arith.cmpi eq, %and3A_314, %eq3A_316 : vector<16xi32>
        %select_n3A_318 = arith.select %eq3A_317, %get3A_304, %get3A_311 : vector<16xi1>, vector<16xf32>
        %select_n3A_319 = arith.select %eq3A_317, %get3A_311, %get3A_304 : vector<16xi1>, vector<16xf32>
        %xor3A_320 = arith.constant 8 : i32
        %xor3A_321 = vector.broadcast %xor3A_320 : i32 to vector<16xi32>
        %xor3A_322 = arith.xori %iota3A, %xor3A_321 : vector<16xi32>
        %broadcast_in_dim3A_323 = vector.shape_cast %xor3A_322 : vector<16xi32> to vector<16x1xi32>
        %gather3A_324 = vector.shape_cast %broadcast_in_dim3A_323 : vector<16x1xi32> to vector<16xi32>
        %gather3A_325 = tpu.dynamic_gather %select_n3A_319[%gather3A_324] in [0] : vector<16xf32>, vector<16xi32> -> vector<16xf32>
        %add3A_326 = arith.addf %select_n3A_318, %gather3A_325 : vector<16xf32>
        %and3A_327 = arith.constant 4 : i32
        %and3A_328 = vector.broadcast %and3A_327 : i32 to vector<16xi32>
        %and3A_329 = arith.andi %iota3A, %and3A_328 : vector<16xi32>
        %eq3A_330 = arith.constant 0 : i32
        %eq3A_331 = vector.broadcast %eq3A_330 : i32 to vector<16xi32>
        %eq3A_332 = arith.cmpi eq, %and3A_329, %eq3A_331 : vector<16xi32>
        %select_n3A_333 = arith.select %eq3A_332, %add3A_297, %add3A_326 : vector<16xi1>, vector<16xf32>
        %select_n3A_334 = arith.select %eq3A_332, %add3A_326, %add3A_297 : vector<16xi1>, vector<16xf32>
        %xor3A_335 = arith.constant 4 : i32
        %xor3A_336 = vector.broadcast %xor3A_335 : i32 to vector<16xi32>
        %xor3A_337 = arith.xori %iota3A, %xor3A_336 : vector<16xi32>
        %broadcast_in_dim3A_338 = vector.shape_cast %xor3A_337 : vector<16xi32> to vector<16x1xi32>
        %gather3A_339 = vector.shape_cast %broadcast_in_dim3A_338 : vector<16x1xi32> to vector<16xi32>
        %gather3A_340 = tpu.dynamic_gather %select_n3A_334[%gather3A_339] in [0] : vector<16xf32>, vector<16xi32> -> vector<16xf32>
        %add3A_341 = arith.addf %select_n3A_333, %gather3A_340 : vector<16xf32>
        %add3A_342 = arith.constant 3 : i32
        %add3A_343 = arith.addi %mul3A_113, %add3A_342 : i32
        %mul3A_344 = arith.constant 16 : i32
        %mul3A_345 = arith.muli %add3A_343, %mul3A_344 : i32
        %get3A_346 = arith.index_cast %mul3A_345 : i32 to index
        %get3A_347 = tpu.vector_load %arg15[%get3A_346] {strides = array<i32>} : memref<1024xf32, #tpu.memory_space<vmem>>, vector<16xf32>,
        %get3A_348 = vector.shape_cast %get3A_347 : vector<16xf32> to vector<16xf32>
        %add3A_349 = arith.constant 11 : i32
        %add3A_350 = arith.addi %mul3A_113, %add3A_349 : i32
        %mul3A_351 = arith.constant 16 : i32
        %mul3A_352 = arith.muli %add3A_350, %mul3A_351 : i32
        %get3A_353 = arith.index_cast %mul3A_352 : i32 to index
        %get3A_354 = tpu.vector_load %arg15[%get3A_353] {strides = array<i32>} : memref<1024xf32, #tpu.memory_space<vmem>>, vector<16xf32>,
        %get3A_355 = vector.shape_cast %get3A_354 : vector<16xf32> to vector<16xf32>
        %and3A_356 = arith.constant 8 : i32
        %and3A_357 = vector.broadcast %and3A_356 : i32 to vector<16xi32>
        %and3A_358 = arith.andi %iota3A, %and3A_357 : vector<16xi32>
        %eq3A_359 = arith.constant 0 : i32
        %eq3A_360 = vector.broadcast %eq3A_359 : i32 to vector<16xi32>
        %eq3A_361 = arith.cmpi eq, %and3A_358, %eq3A_360 : vector<16xi32>
        %select_n3A_362 = arith.select %eq3A_361, %get3A_348, %get3A_355 : vector<16xi1>, vector<16xf32>
        %select_n3A_363 = arith.select %eq3A_361, %get3A_355, %get3A_348 : vector<16xi1>, vector<16xf32>
        %xor3A_364 = arith.constant 8 : i32
        %xor3A_365 = vector.broadcast %xor3A_364 : i32 to vector<16xi32>
        %xor3A_366 = arith.xori %iota3A, %xor3A_365 : vector<16xi32>
        %broadcast_in_dim3A_367 = vector.shape_cast %xor3A_366 : vector<16xi32> to vector<16x1xi32>
        %gather3A_368 = vector.shape_cast %broadcast_in_dim3A_367 : vector<16x1xi32> to vector<16xi32>
        %gather3A_369 = tpu.dynamic_gather %select_n3A_363[%gather3A_368] in [0] : vector<16xf32>, vector<16xi32> -> vector<16xf32>
        %add3A_370 = arith.addf %select_n3A_362, %gather3A_369 : vector<16xf32>
        %add3A_371 = arith.constant 7 : i32
        %add3A_372 = arith.addi %mul3A_113, %add3A_371 : i32
        %mul3A_373 = arith.constant 16 : i32
        %mul3A_374 = arith.muli %add3A_372, %mul3A_373 : i32
        %get3A_375 = arith.index_cast %mul3A_374 : i32 to index
        %get3A_376 = tpu.vector_load %arg15[%get3A_375] {strides = array<i32>} : memref<1024xf32, #tpu.memory_space<vmem>>, vector<16xf32>,
        %get3A_377 = vector.shape_cast %get3A_376 : vector<16xf32> to vector<16xf32>
        %add3A_378 = arith.constant 15 : i32
        %add3A_379 = arith.addi %mul3A_113, %add3A_378 : i32
        %mul3A_380 = arith.constant 16 : i32
        %mul3A_381 = arith.muli %add3A_379, %mul3A_380 : i32
        %get3A_382 = arith.index_cast %mul3A_381 : i32 to index
        %get3A_383 = tpu.vector_load %arg15[%get3A_382] {strides = array<i32>} : memref<1024xf32, #tpu.memory_space<vmem>>, vector<16xf32>,
        %get3A_384 = vector.shape_cast %get3A_383 : vector<16xf32> to vector<16xf32>
        %and3A_385 = arith.constant 8 : i32
        %and3A_386 = vector.broadcast %and3A_385 : i32 to vector<16xi32>
        %and3A_387 = arith.andi %iota3A, %and3A_386 : vector<16xi32>
        %eq3A_388 = arith.constant 0 : i32
        %eq3A_389 = vector.broadcast %eq3A_388 : i32 to vector<16xi32>
        %eq3A_390 = arith.cmpi eq, %and3A_387, %eq3A_389 : vector<16xi32>
        %select_n3A_391 = arith.select %eq3A_390, %get3A_377, %get3A_384 : vector<16xi1>, vector<16xf32>
        %select_n3A_392 = arith.select %eq3A_390, %get3A_384, %get3A_377 : vector<16xi1>, vector<16xf32>
        %xor3A_393 = arith.constant 8 : i32
        %xor3A_394 = vector.broadcast %xor3A_393 : i32 to vector<16xi32>
        %xor3A_395 = arith.xori %iota3A, %xor3A_394 : vector<16xi32>
        %broadcast_in_dim3A_396 = vector.shape_cast %xor3A_395 : vector<16xi32> to vector<16x1xi32>
        %gather3A_397 = vector.shape_cast %broadcast_in_dim3A_396 : vector<16x1xi32> to vector<16xi32>
        %gather3A_398 = tpu.dynamic_gather %select_n3A_392[%gather3A_397] in [0] : vector<16xf32>, vector<16xi32> -> vector<16xf32>
        %add3A_399 = arith.addf %select_n3A_391, %gather3A_398 : vector<16xf32>
        %and3A_400 = arith.constant 4 : i32
        %and3A_401 = vector.broadcast %and3A_400 : i32 to vector<16xi32>
        %and3A_402 = arith.andi %iota3A, %and3A_401 : vector<16xi32>
        %eq3A_403 = arith.constant 0 : i32
        %eq3A_404 = vector.broadcast %eq3A_403 : i32 to vector<16xi32>
        %eq3A_405 = arith.cmpi eq, %and3A_402, %eq3A_404 : vector<16xi32>
        %select_n3A_406 = arith.select %eq3A_405, %add3A_370, %add3A_399 : vector<16xi1>, vector<16xf32>
        %select_n3A_407 = arith.select %eq3A_405, %add3A_399, %add3A_370 : vector<16xi1>, vector<16xf32>
        %xor3A_408 = arith.constant 4 : i32
        %xor3A_409 = vector.broadcast %xor3A_408 : i32 to vector<16xi32>
        %xor3A_410 = arith.xori %iota3A, %xor3A_409 : vector<16xi32>
        %broadcast_in_dim3A_411 = vector.shape_cast %xor3A_410 : vector<16xi32> to vector<16x1xi32>
        %gather3A_412 = vector.shape_cast %broadcast_in_dim3A_411 : vector<16x1xi32> to vector<16xi32>
        %gather3A_413 = tpu.dynamic_gather %select_n3A_407[%gather3A_412] in [0] : vector<16xf32>, vector<16xi32> -> vector<16xf32>
        %add3A_414 = arith.addf %select_n3A_406, %gather3A_413 : vector<16xf32>
        %and3A_415 = arith.constant 2 : i32
        %and3A_416 = vector.broadcast %and3A_415 : i32 to vector<16xi32>
        %and3A_417 = arith.andi %iota3A, %and3A_416 : vector<16xi32>
        %eq3A_418 = arith.constant 0 : i32
        %eq3A_419 = vector.broadcast %eq3A_418 : i32 to vector<16xi32>
        %eq3A_420 = arith.cmpi eq, %and3A_417, %eq3A_419 : vector<16xi32>
        %select_n3A_421 = arith.select %eq3A_420, %add3A_341, %add3A_414 : vector<16xi1>, vector<16xf32>
        %select_n3A_422 = arith.select %eq3A_420, %add3A_414, %add3A_341 : vector<16xi1>, vector<16xf32>
        %xor3A_423 = arith.constant 2 : i32
        %xor3A_424 = vector.broadcast %xor3A_423 : i32 to vector<16xi32>
        %xor3A_425 = arith.xori %iota3A, %xor3A_424 : vector<16xi32>
        %broadcast_in_dim3A_426 = vector.shape_cast %xor3A_425 : vector<16xi32> to vector<16x1xi32>
        %gather3A_427 = vector.shape_cast %broadcast_in_dim3A_426 : vector<16x1xi32> to vector<16xi32>
        %gather3A_428 = tpu.dynamic_gather %select_n3A_422[%gather3A_427] in [0] : vector<16xf32>, vector<16xi32> -> vector<16xf32>
        %add3A_429 = arith.addf %select_n3A_421, %gather3A_428 : vector<16xf32>
        %and3A_430 = arith.constant 1 : i32
        %and3A_431 = vector.broadcast %and3A_430 : i32 to vector<16xi32>
        %and3A_432 = arith.andi %iota3A, %and3A_431 : vector<16xi32>
        %eq3A_433 = arith.constant 0 : i32
        %eq3A_434 = vector.broadcast %eq3A_433 : i32 to vector<16xi32>
        %eq3A_435 = arith.cmpi eq, %and3A_432, %eq3A_434 : vector<16xi32>
        %select_n3A_436 = arith.select %eq3A_435, %add3A_268, %add3A_429 : vector<16xi1>, vector<16xf32>
        %select_n3A_437 = arith.select %eq3A_435, %add3A_429, %add3A_268 : vector<16xi1>, vector<16xf32>
        %xor3A_438 = arith.constant 1 : i32
        %xor3A_439 = vector.broadcast %xor3A_438 : i32 to vector<16xi32>
        %xor3A_440 = arith.xori %iota3A, %xor3A_439 : vector<16xi32>
        %broadcast_in_dim3A_441 = vector.shape_cast %xor3A_440 : vector<16xi32> to vector<16x1xi32>
        %gather3A_442 = vector.shape_cast %broadcast_in_dim3A_441 : vector<16x1xi32> to vector<16xi32>
        %gather3A_443 = tpu.dynamic_gather %select_n3A_437[%gather3A_442] in [0] : vector<16xf32>, vector<16xi32> -> vector<16xf32>
        %add3A_444 = arith.addf %select_n3A_436, %gather3A_443 : vector<16xf32>
        %mul3A_445 = arith.constant 64 : i32
        %mul3A_446 = arith.muli %scan3A_86, %mul3A_445 : i32
        %add3A_447 = arith.addi %mul3A_446, %mul3A_113 : i32
        %swap3A = arith.index_cast %add3A_447 : i32 to index
        %swap3A_448 = tpu.vector_load %arg17[%swap3A] {strides = array<i32>} : memref<512xf32, #tpu.memory_space<vmem>>, vector<16xf32>,
        %swap3A_449 = vector.shape_cast %swap3A_448 : vector<16xf32> to vector<16xf32>
        %swap3A_450 = vector.shape_cast %add3A_444 : vector<16xf32> to vector<16xf32>
        tpu.vector_store %arg17[%swap3A], %swap3A_450 {strides = array<i32>} : memref<512xf32, #tpu.memory_space<vmem>>, vector<16xf32>,
        %add3A_451 = arith.constant 0 : i32
        %add3A_452 = arith.addi %mul3A_113, %add3A_451 : i32
        %mul3A_453 = arith.constant 16 : i32
        %mul3A_454 = arith.muli %add3A_452, %mul3A_453 : i32
        %get3A_455 = arith.index_cast %mul3A_454 : i32 to index
        %get3A_456 = tpu.vector_load %arg16[%get3A_455] {strides = array<i32>} : memref<1024xf32, #tpu.memory_space<vmem>>, vector<16xf32>,
        %get3A_457 = vector.shape_cast %get3A_456 : vector<16xf32> to vector<16xf32>
        %add3A_458 = arith.constant 8 : i32
        %add3A_459 = arith.addi %mul3A_113, %add3A_458 : i32
        %mul3A_460 = arith.constant 16 : i32
        %mul3A_461 = arith.muli %add3A_459, %mul3A_460 : i32
        %get3A_462 = arith.index_cast %mul3A_461 : i32 to index
        %get3A_463 = tpu.vector_load %arg16[%get3A_462] {strides = array<i32>} : memref<1024xf32, #tpu.memory_space<vmem>>, vector<16xf32>,
        %get3A_464 = vector.shape_cast %get3A_463 : vector<16xf32> to vector<16xf32>
        %and3A_465 = arith.constant 8 : i32
        %and3A_466 = vector.broadcast %and3A_465 : i32 to vector<16xi32>
        %and3A_467 = arith.andi %iota3A, %and3A_466 : vector<16xi32>
        %eq3A_468 = arith.constant 0 : i32
        %eq3A_469 = vector.broadcast %eq3A_468 : i32 to vector<16xi32>
        %eq3A_470 = arith.cmpi eq, %and3A_467, %eq3A_469 : vector<16xi32>
        %select_n3A_471 = arith.select %eq3A_470, %get3A_457, %get3A_464 : vector<16xi1>, vector<16xf32>
        %select_n3A_472 = arith.select %eq3A_470, %get3A_464, %get3A_457 : vector<16xi1>, vector<16xf32>
        %xor3A_473 = arith.constant 8 : i32
        %xor3A_474 = vector.broadcast %xor3A_473 : i32 to vector<16xi32>
        %xor3A_475 = arith.xori %iota3A, %xor3A_474 : vector<16xi32>
        %broadcast_in_dim3A_476 = vector.shape_cast %xor3A_475 : vector<16xi32> to vector<16x1xi32>
        %gather3A_477 = vector.shape_cast %broadcast_in_dim3A_476 : vector<16x1xi32> to vector<16xi32>
        %gather3A_478 = tpu.dynamic_gather %select_n3A_472[%gather3A_477] in [0] : vector<16xf32>, vector<16xi32> -> vector<16xf32>
        %add3A_479 = arith.addf %select_n3A_471, %gather3A_478 : vector<16xf32>
        %add3A_480 = arith.constant 4 : i32
        %add3A_481 = arith.addi %mul3A_113, %add3A_480 : i32
        %mul3A_482 = arith.constant 16 : i32
        %mul3A_483 = arith.muli %add3A_481, %mul3A_482 : i32
        %get3A_484 = arith.index_cast %mul3A_483 : i32 to index
        %get3A_485 = tpu.vector_load %arg16[%get3A_484] {strides = array<i32>} : memref<1024xf32, #tpu.memory_space<vmem>>, vector<16xf32>,
        %get3A_486 = vector.shape_cast %get3A_485 : vector<16xf32> to vector<16xf32>
        %add3A_487 = arith.constant 12 : i32
        %add3A_488 = arith.addi %mul3A_113, %add3A_487 : i32
        %mul3A_489 = arith.constant 16 : i32
        %mul3A_490 = arith.muli %add3A_488, %mul3A_489 : i32
        %get3A_491 = arith.index_cast %mul3A_490 : i32 to index
        %get3A_492 = tpu.vector_load %arg16[%get3A_491] {strides = array<i32>} : memref<1024xf32, #tpu.memory_space<vmem>>, vector<16xf32>,
        %get3A_493 = vector.shape_cast %get3A_492 : vector<16xf32> to vector<16xf32>
        %and3A_494 = arith.constant 8 : i32
        %and3A_495 = vector.broadcast %and3A_494 : i32 to vector<16xi32>
        %and3A_496 = arith.andi %iota3A, %and3A_495 : vector<16xi32>
        %eq3A_497 = arith.constant 0 : i32
        %eq3A_498 = vector.broadcast %eq3A_497 : i32 to vector<16xi32>
        %eq3A_499 = arith.cmpi eq, %and3A_496, %eq3A_498 : vector<16xi32>
        %select_n3A_500 = arith.select %eq3A_499, %get3A_486, %get3A_493 : vector<16xi1>, vector<16xf32>
        %select_n3A_501 = arith.select %eq3A_499, %get3A_493, %get3A_486 : vector<16xi1>, vector<16xf32>
        %xor3A_502 = arith.constant 8 : i32
        %xor3A_503 = vector.broadcast %xor3A_502 : i32 to vector<16xi32>
        %xor3A_504 = arith.xori %iota3A, %xor3A_503 : vector<16xi32>
        %broadcast_in_dim3A_505 = vector.shape_cast %xor3A_504 : vector<16xi32> to vector<16x1xi32>
        %gather3A_506 = vector.shape_cast %broadcast_in_dim3A_505 : vector<16x1xi32> to vector<16xi32>
        %gather3A_507 = tpu.dynamic_gather %select_n3A_501[%gather3A_506] in [0] : vector<16xf32>, vector<16xi32> -> vector<16xf32>
        %add3A_508 = arith.addf %select_n3A_500, %gather3A_507 : vector<16xf32>
        %and3A_509 = arith.constant 4 : i32
        %and3A_510 = vector.broadcast %and3A_509 : i32 to vector<16xi32>
        %and3A_511 = arith.andi %iota3A, %and3A_510 : vector<16xi32>
        %eq3A_512 = arith.constant 0 : i32
        %eq3A_513 = vector.broadcast %eq3A_512 : i32 to vector<16xi32>
        %eq3A_514 = arith.cmpi eq, %and3A_511, %eq3A_513 : vector<16xi32>
        %select_n3A_515 = arith.select %eq3A_514, %add3A_479, %add3A_508 : vector<16xi1>, vector<16xf32>
        %select_n3A_516 = arith.select %eq3A_514, %add3A_508, %add3A_479 : vector<16xi1>, vector<16xf32>
        %xor3A_517 = arith.constant 4 : i32
        %xor3A_518 = vector.broadcast %xor3A_517 : i32 to vector<16xi32>
        %xor3A_519 = arith.xori %iota3A, %xor3A_518 : vector<16xi32>
        %broadcast_in_dim3A_520 = vector.shape_cast %xor3A_519 : vector<16xi32> to vector<16x1xi32>
        %gather3A_521 = vector.shape_cast %broadcast_in_dim3A_520 : vector<16x1xi32> to vector<16xi32>
        %gather3A_522 = tpu.dynamic_gather %select_n3A_516[%gather3A_521] in [0] : vector<16xf32>, vector<16xi32> -> vector<16xf32>
        %add3A_523 = arith.addf %select_n3A_515, %gather3A_522 : vector<16xf32>
        %add3A_524 = arith.constant 2 : i32
        %add3A_525 = arith.addi %mul3A_113, %add3A_524 : i32
        %mul3A_526 = arith.constant 16 : i32
        %mul3A_527 = arith.muli %add3A_525, %mul3A_526 : i32
        %get3A_528 = arith.index_cast %mul3A_527 : i32 to index
        %get3A_529 = tpu.vector_load %arg16[%get3A_528] {strides = array<i32>} : memref<1024xf32, #tpu.memory_space<vmem>>, vector<16xf32>,
        %get3A_530 = vector.shape_cast %get3A_529 : vector<16xf32> to vector<16xf32>
        %add3A_531 = arith.constant 10 : i32
        %add3A_532 = arith.addi %mul3A_113, %add3A_531 : i32
        %mul3A_533 = arith.constant 16 : i32
        %mul3A_534 = arith.muli %add3A_532, %mul3A_533 : i32
        %get3A_535 = arith.index_cast %mul3A_534 : i32 to index
        %get3A_536 = tpu.vector_load %arg16[%get3A_535] {strides = array<i32>} : memref<1024xf32, #tpu.memory_space<vmem>>, vector<16xf32>,
        %get3A_537 = vector.shape_cast %get3A_536 : vector<16xf32> to vector<16xf32>
        %and3A_538 = arith.constant 8 : i32
        %and3A_539 = vector.broadcast %and3A_538 : i32 to vector<16xi32>
        %and3A_540 = arith.andi %iota3A, %and3A_539 : vector<16xi32>
        %eq3A_541 = arith.constant 0 : i32
        %eq3A_542 = vector.broadcast %eq3A_541 : i32 to vector<16xi32>
        %eq3A_543 = arith.cmpi eq, %and3A_540, %eq3A_542 : vector<16xi32>
        %select_n3A_544 = arith.select %eq3A_543, %get3A_530, %get3A_537 : vector<16xi1>, vector<16xf32>
        %select_n3A_545 = arith.select %eq3A_543, %get3A_537, %get3A_530 : vector<16xi1>, vector<16xf32>
        %xor3A_546 = arith.constant 8 : i32
        %xor3A_547 = vector.broadcast %xor3A_546 : i32 to vector<16xi32>
        %xor3A_548 = arith.xori %iota3A, %xor3A_547 : vector<16xi32>
        %broadcast_in_dim3A_549 = vector.shape_cast %xor3A_548 : vector<16xi32> to vector<16x1xi32>
        %gather3A_550 = vector.shape_cast %broadcast_in_dim3A_549 : vector<16x1xi32> to vector<16xi32>
        %gather3A_551 = tpu.dynamic_gather %select_n3A_545[%gather3A_550] in [0] : vector<16xf32>, vector<16xi32> -> vector<16xf32>
        %add3A_552 = arith.addf %select_n3A_544, %gather3A_551 : vector<16xf32>
        %add3A_553 = arith.constant 6 : i32
        %add3A_554 = arith.addi %mul3A_113, %add3A_553 : i32
        %mul3A_555 = arith.constant 16 : i32
        %mul3A_556 = arith.muli %add3A_554, %mul3A_555 : i32
        %get3A_557 = arith.index_cast %mul3A_556 : i32 to index
        %get3A_558 = tpu.vector_load %arg16[%get3A_557] {strides = array<i32>} : memref<1024xf32, #tpu.memory_space<vmem>>, vector<16xf32>,
        %get3A_559 = vector.shape_cast %get3A_558 : vector<16xf32> to vector<16xf32>
        %add3A_560 = arith.constant 14 : i32
        %add3A_561 = arith.addi %mul3A_113, %add3A_560 : i32
        %mul3A_562 = arith.constant 16 : i32
        %mul3A_563 = arith.muli %add3A_561, %mul3A_562 : i32
        %get3A_564 = arith.index_cast %mul3A_563 : i32 to index
        %get3A_565 = tpu.vector_load %arg16[%get3A_564] {strides = array<i32>} : memref<1024xf32, #tpu.memory_space<vmem>>, vector<16xf32>,
        %get3A_566 = vector.shape_cast %get3A_565 : vector<16xf32> to vector<16xf32>
        %and3A_567 = arith.constant 8 : i32
        %and3A_568 = vector.broadcast %and3A_567 : i32 to vector<16xi32>
        %and3A_569 = arith.andi %iota3A, %and3A_568 : vector<16xi32>
        %eq3A_570 = arith.constant 0 : i32
        %eq3A_571 = vector.broadcast %eq3A_570 : i32 to vector<16xi32>
        %eq3A_572 = arith.cmpi eq, %and3A_569, %eq3A_571 : vector<16xi32>
        %select_n3A_573 = arith.select %eq3A_572, %get3A_559, %get3A_566 : vector<16xi1>, vector<16xf32>
        %select_n3A_574 = arith.select %eq3A_572, %get3A_566, %get3A_559 : vector<16xi1>, vector<16xf32>
        %xor3A_575 = arith.constant 8 : i32
        %xor3A_576 = vector.broadcast %xor3A_575 : i32 to vector<16xi32>
        %xor3A_577 = arith.xori %iota3A, %xor3A_576 : vector<16xi32>
        %broadcast_in_dim3A_578 = vector.shape_cast %xor3A_577 : vector<16xi32> to vector<16x1xi32>
        %gather3A_579 = vector.shape_cast %broadcast_in_dim3A_578 : vector<16x1xi32> to vector<16xi32>
        %gather3A_580 = tpu.dynamic_gather %select_n3A_574[%gather3A_579] in [0] : vector<16xf32>, vector<16xi32> -> vector<16xf32>
        %add3A_581 = arith.addf %select_n3A_573, %gather3A_580 : vector<16xf32>
        %and3A_582 = arith.constant 4 : i32
        %and3A_583 = vector.broadcast %and3A_582 : i32 to vector<16xi32>
        %and3A_584 = arith.andi %iota3A, %and3A_583 : vector<16xi32>
        %eq3A_585 = arith.constant 0 : i32
        %eq3A_586 = vector.broadcast %eq3A_585 : i32 to vector<16xi32>
        %eq3A_587 = arith.cmpi eq, %and3A_584, %eq3A_586 : vector<16xi32>
        %select_n3A_588 = arith.select %eq3A_587, %add3A_552, %add3A_581 : vector<16xi1>, vector<16xf32>
        %select_n3A_589 = arith.select %eq3A_587, %add3A_581, %add3A_552 : vector<16xi1>, vector<16xf32>
        %xor3A_590 = arith.constant 4 : i32
        %xor3A_591 = vector.broadcast %xor3A_590 : i32 to vector<16xi32>
        %xor3A_592 = arith.xori %iota3A, %xor3A_591 : vector<16xi32>
        %broadcast_in_dim3A_593 = vector.shape_cast %xor3A_592 : vector<16xi32> to vector<16x1xi32>
        %gather3A_594 = vector.shape_cast %broadcast_in_dim3A_593 : vector<16x1xi32> to vector<16xi32>
        %gather3A_595 = tpu.dynamic_gather %select_n3A_589[%gather3A_594] in [0] : vector<16xf32>, vector<16xi32> -> vector<16xf32>
        %add3A_596 = arith.addf %select_n3A_588, %gather3A_595 : vector<16xf32>
        %and3A_597 = arith.constant 2 : i32
        %and3A_598 = vector.broadcast %and3A_597 : i32 to vector<16xi32>
        %and3A_599 = arith.andi %iota3A, %and3A_598 : vector<16xi32>
        %eq3A_600 = arith.constant 0 : i32
        %eq3A_601 = vector.broadcast %eq3A_600 : i32 to vector<16xi32>
        %eq3A_602 = arith.cmpi eq, %and3A_599, %eq3A_601 : vector<16xi32>
        %select_n3A_603 = arith.select %eq3A_602, %add3A_523, %add3A_596 : vector<16xi1>, vector<16xf32>
        %select_n3A_604 = arith.select %eq3A_602, %add3A_596, %add3A_523 : vector<16xi1>, vector<16xf32>
        %xor3A_605 = arith.constant 2 : i32
        %xor3A_606 = vector.broadcast %xor3A_605 : i32 to vector<16xi32>
        %xor3A_607 = arith.xori %iota3A, %xor3A_606 : vector<16xi32>
        %broadcast_in_dim3A_608 = vector.shape_cast %xor3A_607 : vector<16xi32> to vector<16x1xi32>
        %gather3A_609 = vector.shape_cast %broadcast_in_dim3A_608 : vector<16x1xi32> to vector<16xi32>
        %gather3A_610 = tpu.dynamic_gather %select_n3A_604[%gather3A_609] in [0] : vector<16xf32>, vector<16xi32> -> vector<16xf32>
        %add3A_611 = arith.addf %select_n3A_603, %gather3A_610 : vector<16xf32>
        %add3A_612 = arith.constant 1 : i32
        %add3A_613 = arith.addi %mul3A_113, %add3A_612 : i32
        %mul3A_614 = arith.constant 16 : i32
        %mul3A_615 = arith.muli %add3A_613, %mul3A_614 : i32
        %get3A_616 = arith.index_cast %mul3A_615 : i32 to index
        %get3A_617 = tpu.vector_load %arg16[%get3A_616] {strides = array<i32>} : memref<1024xf32, #tpu.memory_space<vmem>>, vector<16xf32>,
        %get3A_618 = vector.shape_cast %get3A_617 : vector<16xf32> to vector<16xf32>
        %add3A_619 = arith.constant 9 : i32
        %add3A_620 = arith.addi %mul3A_113, %add3A_619 : i32
        %mul3A_621 = arith.constant 16 : i32
        %mul3A_622 = arith.muli %add3A_620, %mul3A_621 : i32
        %get3A_623 = arith.index_cast %mul3A_622 : i32 to index
        %get3A_624 = tpu.vector_load %arg16[%get3A_623] {strides = array<i32>} : memref<1024xf32, #tpu.memory_space<vmem>>, vector<16xf32>,
        %get3A_625 = vector.shape_cast %get3A_624 : vector<16xf32> to vector<16xf32>
        %and3A_626 = arith.constant 8 : i32
        %and3A_627 = vector.broadcast %and3A_626 : i32 to vector<16xi32>
        %and3A_628 = arith.andi %iota3A, %and3A_627 : vector<16xi32>
        %eq3A_629 = arith.constant 0 : i32
        %eq3A_630 = vector.broadcast %eq3A_629 : i32 to vector<16xi32>
        %eq3A_631 = arith.cmpi eq, %and3A_628, %eq3A_630 : vector<16xi32>
        %select_n3A_632 = arith.select %eq3A_631, %get3A_618, %get3A_625 : vector<16xi1>, vector<16xf32>
        %select_n3A_633 = arith.select %eq3A_631, %get3A_625, %get3A_618 : vector<16xi1>, vector<16xf32>
        %xor3A_634 = arith.constant 8 : i32
        %xor3A_635 = vector.broadcast %xor3A_634 : i32 to vector<16xi32>
        %xor3A_636 = arith.xori %iota3A, %xor3A_635 : vector<16xi32>
        %broadcast_in_dim3A_637 = vector.shape_cast %xor3A_636 : vector<16xi32> to vector<16x1xi32>
        %gather3A_638 = vector.shape_cast %broadcast_in_dim3A_637 : vector<16x1xi32> to vector<16xi32>
        %gather3A_639 = tpu.dynamic_gather %select_n3A_633[%gather3A_638] in [0] : vector<16xf32>, vector<16xi32> -> vector<16xf32>
        %add3A_640 = arith.addf %select_n3A_632, %gather3A_639 : vector<16xf32>
        %add3A_641 = arith.constant 5 : i32
        %add3A_642 = arith.addi %mul3A_113, %add3A_641 : i32
        %mul3A_643 = arith.constant 16 : i32
        %mul3A_644 = arith.muli %add3A_642, %mul3A_643 : i32
        %get3A_645 = arith.index_cast %mul3A_644 : i32 to index
        %get3A_646 = tpu.vector_load %arg16[%get3A_645] {strides = array<i32>} : memref<1024xf32, #tpu.memory_space<vmem>>, vector<16xf32>,
        %get3A_647 = vector.shape_cast %get3A_646 : vector<16xf32> to vector<16xf32>
        %add3A_648 = arith.constant 13 : i32
        %add3A_649 = arith.addi %mul3A_113, %add3A_648 : i32
        %mul3A_650 = arith.constant 16 : i32
        %mul3A_651 = arith.muli %add3A_649, %mul3A_650 : i32
        %get3A_652 = arith.index_cast %mul3A_651 : i32 to index
        %get3A_653 = tpu.vector_load %arg16[%get3A_652] {strides = array<i32>} : memref<1024xf32, #tpu.memory_space<vmem>>, vector<16xf32>,
        %get3A_654 = vector.shape_cast %get3A_653 : vector<16xf32> to vector<16xf32>
        %and3A_655 = arith.constant 8 : i32
        %and3A_656 = vector.broadcast %and3A_655 : i32 to vector<16xi32>
        %and3A_657 = arith.andi %iota3A, %and3A_656 : vector<16xi32>
        %eq3A_658 = arith.constant 0 : i32
        %eq3A_659 = vector.broadcast %eq3A_658 : i32 to vector<16xi32>
        %eq3A_660 = arith.cmpi eq, %and3A_657, %eq3A_659 : vector<16xi32>
        %select_n3A_661 = arith.select %eq3A_660, %get3A_647, %get3A_654 : vector<16xi1>, vector<16xf32>
        %select_n3A_662 = arith.select %eq3A_660, %get3A_654, %get3A_647 : vector<16xi1>, vector<16xf32>
        %xor3A_663 = arith.constant 8 : i32
        %xor3A_664 = vector.broadcast %xor3A_663 : i32 to vector<16xi32>
        %xor3A_665 = arith.xori %iota3A, %xor3A_664 : vector<16xi32>
        %broadcast_in_dim3A_666 = vector.shape_cast %xor3A_665 : vector<16xi32> to vector<16x1xi32>
        %gather3A_667 = vector.shape_cast %broadcast_in_dim3A_666 : vector<16x1xi32> to vector<16xi32>
        %gather3A_668 = tpu.dynamic_gather %select_n3A_662[%gather3A_667] in [0] : vector<16xf32>, vector<16xi32> -> vector<16xf32>
        %add3A_669 = arith.addf %select_n3A_661, %gather3A_668 : vector<16xf32>
        %and3A_670 = arith.constant 4 : i32
        %and3A_671 = vector.broadcast %and3A_670 : i32 to vector<16xi32>
        %and3A_672 = arith.andi %iota3A, %and3A_671 : vector<16xi32>
        %eq3A_673 = arith.constant 0 : i32
        %eq3A_674 = vector.broadcast %eq3A_673 : i32 to vector<16xi32>
        %eq3A_675 = arith.cmpi eq, %and3A_672, %eq3A_674 : vector<16xi32>
        %select_n3A_676 = arith.select %eq3A_675, %add3A_640, %add3A_669 : vector<16xi1>, vector<16xf32>
        %select_n3A_677 = arith.select %eq3A_675, %add3A_669, %add3A_640 : vector<16xi1>, vector<16xf32>
        %xor3A_678 = arith.constant 4 : i32
        %xor3A_679 = vector.broadcast %xor3A_678 : i32 to vector<16xi32>
        %xor3A_680 = arith.xori %iota3A, %xor3A_679 : vector<16xi32>
        %broadcast_in_dim3A_681 = vector.shape_cast %xor3A_680 : vector<16xi32> to vector<16x1xi32>
        %gather3A_682 = vector.shape_cast %broadcast_in_dim3A_681 : vector<16x1xi32> to vector<16xi32>
        %gather3A_683 = tpu.dynamic_gather %select_n3A_677[%gather3A_682] in [0] : vector<16xf32>, vector<16xi32> -> vector<16xf32>
        %add3A_684 = arith.addf %select_n3A_676, %gather3A_683 : vector<16xf32>
        %add3A_685 = arith.constant 3 : i32
        %add3A_686 = arith.addi %mul3A_113, %add3A_685 : i32
        %mul3A_687 = arith.constant 16 : i32
        %mul3A_688 = arith.muli %add3A_686, %mul3A_687 : i32
        %get3A_689 = arith.index_cast %mul3A_688 : i32 to index
        %get3A_690 = tpu.vector_load %arg16[%get3A_689] {strides = array<i32>} : memref<1024xf32, #tpu.memory_space<vmem>>, vector<16xf32>,
        %get3A_691 = vector.shape_cast %get3A_690 : vector<16xf32> to vector<16xf32>
        %add3A_692 = arith.constant 11 : i32
        %add3A_693 = arith.addi %mul3A_113, %add3A_692 : i32
        %mul3A_694 = arith.constant 16 : i32
        %mul3A_695 = arith.muli %add3A_693, %mul3A_694 : i32
        %get3A_696 = arith.index_cast %mul3A_695 : i32 to index
        %get3A_697 = tpu.vector_load %arg16[%get3A_696] {strides = array<i32>} : memref<1024xf32, #tpu.memory_space<vmem>>, vector<16xf32>,
        %get3A_698 = vector.shape_cast %get3A_697 : vector<16xf32> to vector<16xf32>
        %and3A_699 = arith.constant 8 : i32
        %and3A_700 = vector.broadcast %and3A_699 : i32 to vector<16xi32>
        %and3A_701 = arith.andi %iota3A, %and3A_700 : vector<16xi32>
        %eq3A_702 = arith.constant 0 : i32
        %eq3A_703 = vector.broadcast %eq3A_702 : i32 to vector<16xi32>
        %eq3A_704 = arith.cmpi eq, %and3A_701, %eq3A_703 : vector<16xi32>
        %select_n3A_705 = arith.select %eq3A_704, %get3A_691, %get3A_698 : vector<16xi1>, vector<16xf32>
        %select_n3A_706 = arith.select %eq3A_704, %get3A_698, %get3A_691 : vector<16xi1>, vector<16xf32>
        %xor3A_707 = arith.constant 8 : i32
        %xor3A_708 = vector.broadcast %xor3A_707 : i32 to vector<16xi32>
        %xor3A_709 = arith.xori %iota3A, %xor3A_708 : vector<16xi32>
        %broadcast_in_dim3A_710 = vector.shape_cast %xor3A_709 : vector<16xi32> to vector<16x1xi32>
        %gather3A_711 = vector.shape_cast %broadcast_in_dim3A_710 : vector<16x1xi32> to vector<16xi32>
        %gather3A_712 = tpu.dynamic_gather %select_n3A_706[%gather3A_711] in [0] : vector<16xf32>, vector<16xi32> -> vector<16xf32>
        %add3A_713 = arith.addf %select_n3A_705, %gather3A_712 : vector<16xf32>
        %add3A_714 = arith.constant 7 : i32
        %add3A_715 = arith.addi %mul3A_113, %add3A_714 : i32
        %mul3A_716 = arith.constant 16 : i32
        %mul3A_717 = arith.muli %add3A_715, %mul3A_716 : i32
        %get3A_718 = arith.index_cast %mul3A_717 : i32 to index
        %get3A_719 = tpu.vector_load %arg16[%get3A_718] {strides = array<i32>} : memref<1024xf32, #tpu.memory_space<vmem>>, vector<16xf32>,
        %get3A_720 = vector.shape_cast %get3A_719 : vector<16xf32> to vector<16xf32>
        %add3A_721 = arith.constant 15 : i32
        %add3A_722 = arith.addi %mul3A_113, %add3A_721 : i32
        %mul3A_723 = arith.constant 16 : i32
        %mul3A_724 = arith.muli %add3A_722, %mul3A_723 : i32
        %get3A_725 = arith.index_cast %mul3A_724 : i32 to index
        %get3A_726 = tpu.vector_load %arg16[%get3A_725] {strides = array<i32>} : memref<1024xf32, #tpu.memory_space<vmem>>, vector<16xf32>,
        %get3A_727 = vector.shape_cast %get3A_726 : vector<16xf32> to vector<16xf32>
        %and3A_728 = arith.constant 8 : i32
        %and3A_729 = vector.broadcast %and3A_728 : i32 to vector<16xi32>
        %and3A_730 = arith.andi %iota3A, %and3A_729 : vector<16xi32>
        %eq3A_731 = arith.constant 0 : i32
        %eq3A_732 = vector.broadcast %eq3A_731 : i32 to vector<16xi32>
        %eq3A_733 = arith.cmpi eq, %and3A_730, %eq3A_732 : vector<16xi32>
        %select_n3A_734 = arith.select %eq3A_733, %get3A_720, %get3A_727 : vector<16xi1>, vector<16xf32>
        %select_n3A_735 = arith.select %eq3A_733, %get3A_727, %get3A_720 : vector<16xi1>, vector<16xf32>
        %xor3A_736 = arith.constant 8 : i32
        %xor3A_737 = vector.broadcast %xor3A_736 : i32 to vector<16xi32>
        %xor3A_738 = arith.xori %iota3A, %xor3A_737 : vector<16xi32>
        %broadcast_in_dim3A_739 = vector.shape_cast %xor3A_738 : vector<16xi32> to vector<16x1xi32>
        %gather3A_740 = vector.shape_cast %broadcast_in_dim3A_739 : vector<16x1xi32> to vector<16xi32>
        %gather3A_741 = tpu.dynamic_gather %select_n3A_735[%gather3A_740] in [0] : vector<16xf32>, vector<16xi32> -> vector<16xf32>
        %add3A_742 = arith.addf %select_n3A_734, %gather3A_741 : vector<16xf32>
        %and3A_743 = arith.constant 4 : i32
        %and3A_744 = vector.broadcast %and3A_743 : i32 to vector<16xi32>
        %and3A_745 = arith.andi %iota3A, %and3A_744 : vector<16xi32>
        %eq3A_746 = arith.constant 0 : i32
        %eq3A_747 = vector.broadcast %eq3A_746 : i32 to vector<16xi32>
        %eq3A_748 = arith.cmpi eq, %and3A_745, %eq3A_747 : vector<16xi32>
        %select_n3A_749 = arith.select %eq3A_748, %add3A_713, %add3A_742 : vector<16xi1>, vector<16xf32>
        %select_n3A_750 = arith.select %eq3A_748, %add3A_742, %add3A_713 : vector<16xi1>, vector<16xf32>
        %xor3A_751 = arith.constant 4 : i32
        %xor3A_752 = vector.broadcast %xor3A_751 : i32 to vector<16xi32>
        %xor3A_753 = arith.xori %iota3A, %xor3A_752 : vector<16xi32>
        %broadcast_in_dim3A_754 = vector.shape_cast %xor3A_753 : vector<16xi32> to vector<16x1xi32>
        %gather3A_755 = vector.shape_cast %broadcast_in_dim3A_754 : vector<16x1xi32> to vector<16xi32>
        %gather3A_756 = tpu.dynamic_gather %select_n3A_750[%gather3A_755] in [0] : vector<16xf32>, vector<16xi32> -> vector<16xf32>
        %add3A_757 = arith.addf %select_n3A_749, %gather3A_756 : vector<16xf32>
        %and3A_758 = arith.constant 2 : i32
        %and3A_759 = vector.broadcast %and3A_758 : i32 to vector<16xi32>
        %and3A_760 = arith.andi %iota3A, %and3A_759 : vector<16xi32>
        %eq3A_761 = arith.constant 0 : i32
        %eq3A_762 = vector.broadcast %eq3A_761 : i32 to vector<16xi32>
        %eq3A_763 = arith.cmpi eq, %and3A_760, %eq3A_762 : vector<16xi32>
        %select_n3A_764 = arith.select %eq3A_763, %add3A_684, %add3A_757 : vector<16xi1>, vector<16xf32>
        %select_n3A_765 = arith.select %eq3A_763, %add3A_757, %add3A_684 : vector<16xi1>, vector<16xf32>
        %xor3A_766 = arith.constant 2 : i32
        %xor3A_767 = vector.broadcast %xor3A_766 : i32 to vector<16xi32>
        %xor3A_768 = arith.xori %iota3A, %xor3A_767 : vector<16xi32>
        %broadcast_in_dim3A_769 = vector.shape_cast %xor3A_768 : vector<16xi32> to vector<16x1xi32>
        %gather3A_770 = vector.shape_cast %broadcast_in_dim3A_769 : vector<16x1xi32> to vector<16xi32>
        %gather3A_771 = tpu.dynamic_gather %select_n3A_765[%gather3A_770] in [0] : vector<16xf32>, vector<16xi32> -> vector<16xf32>
        %add3A_772 = arith.addf %select_n3A_764, %gather3A_771 : vector<16xf32>
        %and3A_773 = arith.constant 1 : i32
        %and3A_774 = vector.broadcast %and3A_773 : i32 to vector<16xi32>
        %and3A_775 = arith.andi %iota3A, %and3A_774 : vector<16xi32>
        %eq3A_776 = arith.constant 0 : i32
        %eq3A_777 = vector.broadcast %eq3A_776 : i32 to vector<16xi32>
        %eq3A_778 = arith.cmpi eq, %and3A_775, %eq3A_777 : vector<16xi32>
        %select_n3A_779 = arith.select %eq3A_778, %add3A_611, %add3A_772 : vector<16xi1>, vector<16xf32>
        %select_n3A_780 = arith.select %eq3A_778, %add3A_772, %add3A_611 : vector<16xi1>, vector<16xf32>
        %xor3A_781 = arith.constant 1 : i32
        %xor3A_782 = vector.broadcast %xor3A_781 : i32 to vector<16xi32>
        %xor3A_783 = arith.xori %iota3A, %xor3A_782 : vector<16xi32>
        %broadcast_in_dim3A_784 = vector.shape_cast %xor3A_783 : vector<16xi32> to vector<16x1xi32>
        %gather3A_785 = vector.shape_cast %broadcast_in_dim3A_784 : vector<16x1xi32> to vector<16xi32>
        %gather3A_786 = tpu.dynamic_gather %select_n3A_780[%gather3A_785] in [0] : vector<16xf32>, vector<16xi32> -> vector<16xf32>
        %add3A_787 = arith.addf %select_n3A_779, %gather3A_786 : vector<16xf32>
        %mul3A_788 = arith.constant 64 : i32
        %mul3A_789 = arith.muli %scan3A_86, %mul3A_788 : i32
        %add3A_790 = arith.addi %mul3A_789, %mul3A_113 : i32
        %swap3A_791 = arith.index_cast %add3A_790 : i32 to index
        %swap3A_792 = tpu.vector_load %arg18[%swap3A_791] {strides = array<i32>} : memref<512xf32, #tpu.memory_space<vmem>>, vector<16xf32>,
        %swap3A_793 = vector.shape_cast %swap3A_792 : vector<16xf32> to vector<16xf32>
        %swap3A_794 = vector.shape_cast %add3A_787 : vector<16xf32> to vector<16xf32>
        tpu.vector_store %arg18[%swap3A_791], %swap3A_794 {strides = array<i32>} : memref<512xf32, #tpu.memory_space<vmem>>, vector<16xf32>,
      }
      %scan3A_106 = arith.constant 4 : i32
      %lt3A = arith.constant 6 : i32
      %lt3A_107 = arith.cmpi slt, %scan3A_86, %lt3A : i32
      %convert_element_type3A_108 = arith.extui %lt3A_107 : i1 to i32
      %cond3A_109 = arith.constant 0 : i32
      %cond3A_110 = arith.cmpi ne, %convert_element_type3A_108, %cond3A_109 : i32
      scf.if %cond3A_110 {
        %add3A_111 = arith.constant 2 : i32
        %add3A_112 = arith.addi %scan3A_86, %add3A_111 : i32
        %eq3A_113 = arith.constant 0 : i32
        %eq3A_114 = arith.cmpi eq, %rem3A_87, %eq3A_113 : i32
        %convert_element_type3A_115 = arith.extui %eq3A_114 : i1 to i32
        %cond3A_116 = arith.constant 0 : i32
        %cond3A_117 = arith.cmpi ne, %convert_element_type3A_115, %cond3A_116 : i32
        scf.if %cond3A_117 {
          %mul3A_123 = arith.constant 64 : i32
          %mul3A_124 = arith.muli %add3A_112, %mul3A_123 : i32
          %dma_start3A_125 = arith.constant 0 : i32
          %dma_start3A_126 = arith.constant 0 : i32
          %dma_start3A_127 = arith.constant 0 : i32
          %dma_start3A_128 = tpu.memref_slice %arg12[%dma_start3A_125, %dma_start3A_126, %dma_start3A_127] : memref<2x64x128xf32, #tpu.memory_space<vmem>> -> memref<1x64x128xf32, #tpu.memory_space<vmem>>
          %dma_start3A_129 = tpu.memref_squeeze %dma_start3A_128 : memref<1x64x128xf32, #tpu.memory_space<vmem>> -> memref<64x128xf32, #tpu.memory_space<vmem>>
          %dma_start3A_130 = tpu.memref_slice %arg9[%mul3A_124] : memref<512xi32, #tpu.memory_space<vmem>> -> memref<64xi32, #tpu.memory_space<vmem>>
          %dma_start3A_131 = arith.constant 0 : i32
          %dma_start3A_132 = arith.constant 0 : i32
          %dma_start3A_133 = tpu.memref_slice %arg5[%dma_start3A_131, %dma_start3A_132] : memref<100000x128xf32, #tpu.memory_space<hbm>> -> memref<100000x128xf32, #tpu.memory_space<hbm>>
          tpu.enqueue_indirect_dma source(%dma_start3A_133 : memref<100000x128xf32, #tpu.memory_space<hbm>>) target(%dma_start3A_129 : memref<64x128xf32, #tpu.memory_space<vmem>>) offsets(%dma_start3A_130 : memref<64xi32, #tpu.memory_space<vmem>>) semaphore(%arg20 : memref<!tpu.dma_semaphore, #tpu.memory_space<semaphore_mem>>)
          %mul3A_134 = arith.constant 64 : i32
          %mul3A_135 = arith.muli %add3A_112, %mul3A_134 : i32
          %dma_start3A_136 = arith.constant 0 : i32
          %dma_start3A_137 = arith.constant 0 : i32
          %dma_start3A_138 = arith.constant 0 : i32
          %dma_start3A_139 = tpu.memref_slice %arg13[%dma_start3A_136, %dma_start3A_137, %dma_start3A_138] : memref<2x64x128xf32, #tpu.memory_space<vmem>> -> memref<1x64x128xf32, #tpu.memory_space<vmem>>
          %dma_start3A_140 = tpu.memref_squeeze %dma_start3A_139 : memref<1x64x128xf32, #tpu.memory_space<vmem>> -> memref<64x128xf32, #tpu.memory_space<vmem>>
          %dma_start3A_141 = tpu.memref_slice %arg10[%mul3A_135] : memref<512xi32, #tpu.memory_space<vmem>> -> memref<64xi32, #tpu.memory_space<vmem>>
          %dma_start3A_142 = arith.constant 0 : i32
          %dma_start3A_143 = arith.constant 0 : i32
          %dma_start3A_144 = tpu.memref_slice %arg6[%dma_start3A_142, %dma_start3A_143] : memref<100000x128xf32, #tpu.memory_space<hbm>> -> memref<100000x128xf32, #tpu.memory_space<hbm>>
          tpu.enqueue_indirect_dma source(%dma_start3A_144 : memref<100000x128xf32, #tpu.memory_space<hbm>>) target(%dma_start3A_140 : memref<64x128xf32, #tpu.memory_space<vmem>>) offsets(%dma_start3A_141 : memref<64xi32, #tpu.memory_space<vmem>>) semaphore(%arg20 : memref<!tpu.dma_semaphore, #tpu.memory_space<semaphore_mem>>)
          %mul3A_145 = arith.constant 64 : i32
          %mul3A_146 = arith.muli %add3A_112, %mul3A_145 : i32
          %dma_start3A_147 = arith.constant 0 : i32
          %dma_start3A_148 = arith.constant 0 : i32
          %dma_start3A_149 = arith.constant 0 : i32
          %dma_start3A_150 = tpu.memref_slice %arg14[%dma_start3A_147, %dma_start3A_148, %dma_start3A_149] : memref<2x64x128xf32, #tpu.memory_space<vmem>> -> memref<1x64x128xf32, #tpu.memory_space<vmem>>
          %dma_start3A_151 = tpu.memref_squeeze %dma_start3A_150 : memref<1x64x128xf32, #tpu.memory_space<vmem>> -> memref<64x128xf32, #tpu.memory_space<vmem>>
          %dma_start3A_152 = tpu.memref_slice %arg11[%mul3A_146] : memref<512xi32, #tpu.memory_space<vmem>> -> memref<64xi32, #tpu.memory_space<vmem>>
          %dma_start3A_153 = arith.constant 0 : i32
          %dma_start3A_154 = arith.constant 0 : i32
          %dma_start3A_155 = tpu.memref_slice %arg6[%dma_start3A_153, %dma_start3A_154] : memref<100000x128xf32, #tpu.memory_space<hbm>> -> memref<100000x128xf32, #tpu.memory_space<hbm>>
          tpu.enqueue_indirect_dma source(%dma_start3A_155 : memref<100000x128xf32, #tpu.memory_space<hbm>>) target(%dma_start3A_151 : memref<64x128xf32, #tpu.memory_space<vmem>>) offsets(%dma_start3A_152 : memref<64xi32, #tpu.memory_space<vmem>>) semaphore(%arg20 : memref<!tpu.dma_semaphore, #tpu.memory_space<semaphore_mem>>)
        } else {
        }
        %eq3A_118 = arith.constant 1 : i32
        %eq3A_119 = arith.cmpi eq, %rem3A_87, %eq3A_118 : i32
        %convert_element_type3A_120 = arith.extui %eq3A_119 : i1 to i32
        %cond3A_121 = arith.constant 0 : i32
        %cond3A_122 = arith.cmpi ne, %convert_element_type3A_120, %cond3A_121 : i32
        scf.if %cond3A_122 {
          %mul3A_123 = arith.constant 64 : i32
          %mul3A_124 = arith.muli %add3A_112, %mul3A_123 : i32
          %dma_start3A_125 = arith.constant 1 : i32
          %dma_start3A_126 = arith.constant 0 : i32
          %dma_start3A_127 = arith.constant 0 : i32
          %dma_start3A_128 = tpu.memref_slice %arg12[%dma_start3A_125, %dma_start3A_126, %dma_start3A_127] : memref<2x64x128xf32, #tpu.memory_space<vmem>> -> memref<1x64x128xf32, #tpu.memory_space<vmem>>
          %dma_start3A_129 = tpu.memref_squeeze %dma_start3A_128 : memref<1x64x128xf32, #tpu.memory_space<vmem>> -> memref<64x128xf32, #tpu.memory_space<vmem>>
          %dma_start3A_130 = tpu.memref_slice %arg9[%mul3A_124] : memref<512xi32, #tpu.memory_space<vmem>> -> memref<64xi32, #tpu.memory_space<vmem>>
          %dma_start3A_131 = arith.constant 0 : i32
          %dma_start3A_132 = arith.constant 0 : i32
          %dma_start3A_133 = tpu.memref_slice %arg5[%dma_start3A_131, %dma_start3A_132] : memref<100000x128xf32, #tpu.memory_space<hbm>> -> memref<100000x128xf32, #tpu.memory_space<hbm>>
          tpu.enqueue_indirect_dma source(%dma_start3A_133 : memref<100000x128xf32, #tpu.memory_space<hbm>>) target(%dma_start3A_129 : memref<64x128xf32, #tpu.memory_space<vmem>>) offsets(%dma_start3A_130 : memref<64xi32, #tpu.memory_space<vmem>>) semaphore(%arg21 : memref<!tpu.dma_semaphore, #tpu.memory_space<semaphore_mem>>)
          %mul3A_134 = arith.constant 64 : i32
          %mul3A_135 = arith.muli %add3A_112, %mul3A_134 : i32
          %dma_start3A_136 = arith.constant 1 : i32
          %dma_start3A_137 = arith.constant 0 : i32
          %dma_start3A_138 = arith.constant 0 : i32
          %dma_start3A_139 = tpu.memref_slice %arg13[%dma_start3A_136, %dma_start3A_137, %dma_start3A_138] : memref<2x64x128xf32, #tpu.memory_space<vmem>> -> memref<1x64x128xf32, #tpu.memory_space<vmem>>
          %dma_start3A_140 = tpu.memref_squeeze %dma_start3A_139 : memref<1x64x128xf32, #tpu.memory_space<vmem>> -> memref<64x128xf32, #tpu.memory_space<vmem>>
          %dma_start3A_141 = tpu.memref_slice %arg10[%mul3A_135] : memref<512xi32, #tpu.memory_space<vmem>> -> memref<64xi32, #tpu.memory_space<vmem>>
          %dma_start3A_142 = arith.constant 0 : i32
          %dma_start3A_143 = arith.constant 0 : i32
          %dma_start3A_144 = tpu.memref_slice %arg6[%dma_start3A_142, %dma_start3A_143] : memref<100000x128xf32, #tpu.memory_space<hbm>> -> memref<100000x128xf32, #tpu.memory_space<hbm>>
          tpu.enqueue_indirect_dma source(%dma_start3A_144 : memref<100000x128xf32, #tpu.memory_space<hbm>>) target(%dma_start3A_140 : memref<64x128xf32, #tpu.memory_space<vmem>>) offsets(%dma_start3A_141 : memref<64xi32, #tpu.memory_space<vmem>>) semaphore(%arg21 : memref<!tpu.dma_semaphore, #tpu.memory_space<semaphore_mem>>)
          %mul3A_145 = arith.constant 64 : i32
          %mul3A_146 = arith.muli %add3A_112, %mul3A_145 : i32
          %dma_start3A_147 = arith.constant 1 : i32
          %dma_start3A_148 = arith.constant 0 : i32
          %dma_start3A_149 = arith.constant 0 : i32
          %dma_start3A_150 = tpu.memref_slice %arg14[%dma_start3A_147, %dma_start3A_148, %dma_start3A_149] : memref<2x64x128xf32, #tpu.memory_space<vmem>> -> memref<1x64x128xf32, #tpu.memory_space<vmem>>
          %dma_start3A_151 = tpu.memref_squeeze %dma_start3A_150 : memref<1x64x128xf32, #tpu.memory_space<vmem>> -> memref<64x128xf32, #tpu.memory_space<vmem>>
          %dma_start3A_152 = tpu.memref_slice %arg11[%mul3A_146] : memref<512xi32, #tpu.memory_space<vmem>> -> memref<64xi32, #tpu.memory_space<vmem>>
          %dma_start3A_153 = arith.constant 0 : i32
          %dma_start3A_154 = arith.constant 0 : i32
          %dma_start3A_155 = tpu.memref_slice %arg6[%dma_start3A_153, %dma_start3A_154] : memref<100000x128xf32, #tpu.memory_space<hbm>> -> memref<100000x128xf32, #tpu.memory_space<hbm>>
          tpu.enqueue_indirect_dma source(%dma_start3A_155 : memref<100000x128xf32, #tpu.memory_space<hbm>>) target(%dma_start3A_151 : memref<64x128xf32, #tpu.memory_space<vmem>>) offsets(%dma_start3A_152 : memref<64xi32, #tpu.memory_space<vmem>>) semaphore(%arg21 : memref<!tpu.dma_semaphore, #tpu.memory_space<semaphore_mem>>)
        } else {
        }
      } else {
      }
    }
    %scan3A_77 = arith.constant 8 : i32
    %dma_start3A_78 = tpu.memref_slice %arg7[%mul3A_2] : memref<16384xf32, #tpu.memory_space<hbm>> -> memref<512xf32, #tpu.memory_space<hbm>>
    %dma_start3A_79 = tpu.memref_slice %arg7[%mul3A_2] : memref<16384xf32, #tpu.memory_space<hbm>> -> memref<512xf32, #tpu.memory_space<hbm>>
    tpu.enqueue_dma source(%arg17 : memref<512xf32, #tpu.memory_space<vmem>>) target(%dma_start3A_79 : memref<512xf32, #tpu.memory_space<hbm>>) target_semaphore(%arg19 : memref<!tpu.dma_semaphore, #tpu.memory_space<semaphore_mem>>)
    %dma_start3A_80 = tpu.memref_slice %arg8[%mul3A_2] : memref<16384xf32, #tpu.memory_space<hbm>> -> memref<512xf32, #tpu.memory_space<hbm>>
    %dma_start3A_81 = tpu.memref_slice %arg8[%mul3A_2] : memref<16384xf32, #tpu.memory_space<hbm>> -> memref<512xf32, #tpu.memory_space<hbm>>
    tpu.enqueue_dma source(%arg18 : memref<512xf32, #tpu.memory_space<vmem>>) target(%dma_start3A_81 : memref<512xf32, #tpu.memory_space<hbm>>) target_semaphore(%arg19 : memref<!tpu.dma_semaphore, #tpu.memory_space<semaphore_mem>>)
    %dma_wait3A_82 = tpu.memref_slice %arg7[%mul3A_2] : memref<16384xf32, #tpu.memory_space<hbm>> -> memref<512xf32, #tpu.memory_space<hbm>>
    %dma_wait3A_83 = tpu.memref_slice %arg7[%mul3A_2] : memref<16384xf32, #tpu.memory_space<hbm>> -> memref<512xf32, #tpu.memory_space<hbm>>
    tpu.wait_dma2 semaphore(%arg19 : memref<!tpu.dma_semaphore, #tpu.memory_space<semaphore_mem>>) src(%arg17 : memref<512xf32, #tpu.memory_space<vmem>>) dst(%dma_wait3A_83 : memref<512xf32, #tpu.memory_space<hbm>>)
    %dma_wait3A_84 = tpu.memref_slice %arg8[%mul3A_2] : memref<16384xf32, #tpu.memory_space<hbm>> -> memref<512xf32, #tpu.memory_space<hbm>>
    %dma_wait3A_85 = tpu.memref_slice %arg8[%mul3A_2] : memref<16384xf32, #tpu.memory_space<hbm>> -> memref<512xf32, #tpu.memory_space<hbm>>
    tpu.wait_dma2 semaphore(%arg19 : memref<!tpu.dma_semaphore, #tpu.memory_space<semaphore_mem>>) src(%arg18 : memref<512xf32, #tpu.memory_space<vmem>>) dst(%dma_wait3A_85 : memref<512xf32, #tpu.memory_space<hbm>>)
    return
  }
}

</mosaic_0001>

<sc_bundles>
// kernel: _bpr.3.cloned.1.call-start
scs
__scs_entry_jumppad:
0x0: {  	(pc) =	sbr.rel $0x88, $3  }
0x1: {  	(tag) =	ssettag $0x0;
	lr =	simm.s32 $0x1  }
0x2: {  	[smem:$0x3F9C] =	sst lr;
	_ =	strace $0xD0000000  }
0x3: {  	_ = 	snop  }
0x4: {  	_ = 	snop  }
0x5: {  	_ = 	snop  }
0x6: {  	_ = 	snop  }
0x7: {  	_ = 	snop  }
__scs_overlays_trampoline_lowered:
0x8: {  	[smem:$0x3FAB] =	sst s0  }
0x9: {  	[smem:$0x3FAC] =	sst s1  }
0xa: {  	[smem:$0x3FAD] =	sst s2  }
0xb: {  	[smem:$0x3FAE] =	sst s3  }
0xc: {  	[smem:$0x3FAF] =	sst s4  }
0xd: {  	[smem:$0x3FB0] =	sst s5  }
0xe: {  	[smem:$0x3FB1] =	sst s6  }
0xf: {  	[smem:$0x3FB2] =	sst s7  }
0x10: {  	[smem:$0x3FB3] =	sst s8  }
0x11: {  	[smem:$0x3FB4] =	sst s9;
	s0 =	simm.s32 @!p0 $0x0  }
0x12: {  	s1 =	sld [smem:$0x3F9A];
	s0 =	simm.s32 @p0 $0x1  }
0x13: {  	[smem:$0x3FB5] =	sst s0;
	s0 =	simm.s32 @!p1 $0x0  }
0x14: {  	s2 =	sld [smem:$0x3F99];
	s0 =	simm.s32 @p1 $0x1  }
0x15: {  	[smem:$0x3FB6] =	sst s0;
	s0 =	simm.s32 @!p2 $0x0  }
0x16: {  	s3 =	sld [smem:$0x3FDB];
	s0 =	simm.s32 @p2 $0x1  }
0x17: {  	s4 =	simm.s32 $0x1BF5;
	[smem:$0x3FB8] =	sst s0  }
0x18: {  	s0 =	sld [smem:$0x3F9B];
	_ =	swait.ge [sflag:s4], $0x0  }
0x19: {  	s7 =	sld [smem:$0x3F9C]  }
0x1a: {  	s8 =	sadd.s32 $0xFFFFE003, lr  }
0x1b: {  	s9 =	sadd.s32 $0xFFFFFEF7, lr;
	s5 =	simm.s32 $0xFFFFFFFF;
	p2 =	slt.u32 s8, $0xFFFFF086  }
0x1c: {  	p1 =	slt.u32 s9, $0xF7A;
	s5 =	simm.s32 @!p2 $0x0  }
0x1d: {  	s5 =	simm.s32 @p1 $0x1;
	p0 =	seq.s32 s7, s2  }
0x1e: {  	s7 =	smul.u32 @!p0 $0xF7A, s2;
	p2 =	seq.s32 @!p0 s5, $0x0  }
0x1f: {  	s9 =	smul.u32 $0xF7A, s1;
	s8 =	simm.s32 @!p0 $0x1BF5;
	p2 =	por !p2, p0  }
0x20: {  	[sflag:s8] =	ssyncset.s32 @!p0 $0xFFFFF086;
	s6 =	sadd.s32 @!p0 s3, s7;
	s7 =	simm.s32 @!p0 $0x108  }
0x21: {  	s3 =	sadd.s32 s3, s9;
	s6 =	sadd.s32 @!p0 $0x88, s6;
	s7 =	simm.s32 @p2 $0x1082  }
0x22: {  	[simem:s7], [sflag:s8] =	dma.local @!p0 [hbm:s6], $0xF7A  }
0x23: {  	s9 =	sor.u32 $0xD0000000, s2;
	s6 =	simm.s32 $0x108;
	_ =	swait.ge @!p0 [sflag:s8], $0x0  }
0x24: {  	s3 =	sadd.s32 $0x88, s3;
	s6 =	simm.s32 @!p1 $0x1082;
	[sflag:s4] =	ssyncset.s32 $0xFFFFF086  }
0x25: {  	[simem:s6], [sflag:s4] =	dma.local [hbm:s3], $0xF7A  }
0x26: {  	[smem:$0x3F9C] =	sst s1;
	(tag) =	ssettag s2;
	_ =	strace s9  }
0x27: {  	s1 =	sld [smem:$0x3FAC]  }
0x28: {  	s2 =	sld [smem:$0x3FAD]  }
0x29: {  	s4 =	sld [smem:$0x3FAF]  }
0x2a: {  	p0 =	seq.s32 s5, $0x0;
	s5 =	sld [smem:$0x3FB0]  }
0x2b: {  	s6 =	sld [smem:$0x3FB1]  }
0x2c: {  	s7 =	sld [smem:$0x3FB2]  }
0x2d: {  	s3 =	simm.s32 $0x108;
	s8 =	sld [smem:$0x3FB3]  }
0x2e: {  	s3 =	simm.s32 @!p0 $0x1082;
	s9 =	sld [smem:$0x3FB4]  }
0x2f: {  	lr =	sadd.s32 s0, s3;
	s0 =	sld [smem:$0x3FAB]  }
0x30: {  	s3 =	sld [smem:$0x3FAE]  }
0x31: {  	[smem:$0x3FB7] =	sst s10  }
0x32: {  	s10 =	sld [smem:$0x3FB5];
	_ =	sdelay $0x3  }
0x33: {  	p0 =	seq.s32 s10, $0x1;
	s10 =	sld [smem:$0x3FB7];
	_ =	sdelay $0x3  }
0x34: {  	[smem:$0x3FB7] =	sst s10  }
0x35: {  	s10 =	sld [smem:$0x3FB6];
	_ =	sdelay $0x3  }
0x36: {  	p1 =	seq.s32 s10, $0x1;
	s10 =	sld [smem:$0x3FB7];
	_ =	sdelay $0x3  }
0x37: {  	[smem:$0x3FB7] =	sst s10  }
0x38: {  	s10 =	sld [smem:$0x3FB8]  }
0x39: {  	_ = 	snop;
	(pc) =	sbr.ind lr, $3  }
0x3a: {  	_ = 	snop  }
0x3b: {  	_ = 	snop  }
0x3c: {  	p2 =	seq.s32 s10, $0x1;
	s10 =	sld [smem:$0x3FB7]  }
0x3d: {  	_ =	shalt  }
0x3e: {  	_ =	shalt  }
0x3f: {  	_ =	shalt  }
0x40: {  	_ =	shalt  }
0x41: {  	_ =	shalt  }
0x42: {  	_ =	shalt  }
0x43: {  	_ =	shalt  }
0x44: {  	_ =	shalt  }
0x45: {  	_ =	shalt  }
0x46: {  	_ =	shalt  }
0x47: {  	_ =	shalt  }
0x48: {  	_ =	shalt  }
0x49: {  	_ =	shalt  }
0x4a: {  	_ =	shalt  }
0x4b: {  	_ =	shalt  }
0x4c: {  	_ =	shalt  }
0x4d: {  	_ =	shalt  }
0x4e: {  	_ =	shalt  }
0x4f: {  	_ =	shalt  }
0x50: {  	_ =	shalt  }
0x51: {  	_ =	shalt  }
0x52: {  	_ =	shalt  }
0x53: {  	_ =	shalt  }
0x54: {  	_ =	shalt  }
0x55: {  	_ =	shalt  }
0x56: {  	_ =	shalt  }
0x57: {  	_ =	shalt  }
0x58: {  	_ =	shalt  }
0x59: {  	_ =	shalt  }
0x5a: {  	_ =	shalt  }
0x5b: {  	_ =	shalt  }
0x5c: {  	_ =	shalt  }
0x5d: {  	_ =	shalt  }
0x5e: {  	_ =	shalt  }
0x5f: {  	_ =	shalt  }
0x60: {  	_ =	shalt  }
0x61: {  	_ =	shalt  }
0x62: {  	_ =	shalt  }
0x63: {  	_ =	shalt  }
0x64: {  	_ =	shalt  }
0x65: {  	_ =	shalt  }
0x66: {  	_ =	shalt  }
0x67: {  	_ =	shalt  }
0x68: {  	_ =	shalt  }
0x69: {  	_ =	shalt  }
0x6a: {  	_ =	shalt  }
0x6b: {  	_ =	shalt  }
0x6c: {  	_ =	shalt  }
0x6d: {  	_ =	shalt  }
0x6e: {  	_ =	shalt  }
0x6f: {  	_ =	shalt  }
0x70: {  	_ =	shalt  }
0x71: {  	_ =	shalt  }
0x72: {  	_ =	shalt  }
0x73: {  	_ =	shalt  }
0x74: {  	_ =	shalt  }
0x75: {  	_ =	shalt  }
0x76: {  	_ =	shalt  }
0x77: {  	_ =	shalt  }
0x78: {  	_ =	shalt  }
0x79: {  	_ =	shalt  }
0x7a: {  	_ =	shalt  }
0x7b: {  	_ =	shalt  }
0x7c: {  	_ =	shalt  }
0x7d: {  	_ =	shalt  }
0x7e: {  	_ =	shalt  }
0x7f: {  	_ =	shalt  }
0x80: {  	_ =	shalt  }
0x81: {  	_ =	shalt  }
0x82: {  	_ =	shalt  }
0x83: {  	_ =	shalt  }
0x84: {  	_ =	shalt  }
0x85: {  	_ =	shalt  }
0x86: {  	_ =	shalt  }
0x87: {  	_ =	shalt  }
.Lfunc_end0:
.L_simem_size_0:
called_computation_lowered:
.L_overlay_start_0:
0x88: {  	s2 =	sld [smem:$0x3FD9]  }
0x89: {  	s3 =	sld [smem:$0x3FFE];
	_ =	sdelay $0x1  }
0x8a: {  	s1 =	srdreg.scid  }
0x8b: {  	s0 =	sand.u32 $0x1, s1  }
0x8c: {  	s15 =	sshll.u32 s0, $0xA;
	s2 =	sadd.s32 s3, s2  }
0x8d: {  	s2 =	sadd.s32 s2, s15  }
0x8e: {  	[smem:$0x3FC3] =	sst s2  }
0x8f: {  	_ = 	snop  }
0x90: {  	s2 =	sld [smem:$0x3FC9]  }
0x91: {  	s16 =	sld [smem:$0x3FC8]  }
0x92: {  	s4 =	sld [smem:$0x3FD0]  }
0x93: {  	s5 =	sld [smem:$0x3FC7]  }
0x94: {  	s6 =	sld [smem:$0x3FC6]  }
0x95: {  	s8 =	simm.s32 $0xA;
	s9 =	simm.s32 $0x10;
	s7 =	sld [smem:$0x3FC5]  }
0x96: {  	[smem:s9], [sflag:s8] =	dma.local [hbm:s4], $0x1  }
0x97: {  	_ =	swait.eq [sflag:s8], $0x1  }
0x98: {  	[sflag:s8] =	ssyncset.done $0x0  }
0x99: {  	s17 =	sld [smem:$0x10];
	[sflag:s8] =	ssyncadd.s32 $0xFFFFFFFF  }
0x9a: {  	s18 =	sld [smem:$0x11];
	(tm) =	ssettm $0x1  }
0x9b: {  	s19 =	sld [smem:$0x3FFB];
	_ =	sdelay $0x3  }
0x9c: {  	_ =	strace s19  }
0x9d: {  	s9 =	sld [smem:$0x3FFC];
	_ =	sdelay $0x3  }
0x9e: {  	_ =	strace s9  }
0x9f: {  	s9 =	sld [smem:$0x3FFD];
	_ =	sdelay $0x3  }
0xa0: {  	_ =	strace s9  }
0xa1: {  	_ =	strace $0x8FFFFFFF  }
0xa2: {  	s20 =	sld [smem:$0x3FDB];
	_ =	sdelay $0x1  }
0xa3: {  	s10 =	simm.s32 $_scs_section_size  }
0xa4: {  	s11 =	simm.s32 $_size__tile_overlayer_lowered;
	s12 =	simm.s32 $_tile_overlayer_lowered  }
0xa5: {  	s23 =	simm.s32 $0x1BFF;
	s22 =	sshll.u32 s12, $0x1;
	s9 =	sadd.s32 s10, s20  }
0xa6: {  	s13 =	simm.s32 $0x0;
	s21 =	sshll.u32 s11, $0x1;
	s11 =	sadd.s32 s22, s9  }
0xa7: {  	[timem:s13], [sflag:s23] =	dma.local [hbm:s11], s21  }
0xa8: {  	_ =	swait.ge [sflag:s23], s21  }
0xa9: {  	s10 =	ssub.s32 $0x0, s21;
	[sflag:s23] =	ssyncset.done $0x0  }
0xaa: {  	[sflag:s23] =	ssyncadd.s32 s10;
	_ =	sdelay $0x1  }
0xab: {  	s24 =	simm.s32 $0x1B8B  }
0xac: {  	_ =	swait.ge [sflag:s24], $0x1  }
0xad: {  	[sflag:s24] =	ssyncset.done $0x0  }
0xae: {  	s25 =	simm.s32 $0x1B8E;
	[sflag:s24] =	ssyncadd.s32 $0xFFFFFFFF  }
0xaf: {  	s26 =	simm.s32 $execute0_lowered;
	[smem:$0x3FD2] =	sst s25  }
0xb0: {  	s10 =	sshll.u32 s26, $0x1;
	_ =	strace $0x80000046;
	[dreg:$0x1] =	wrdreg $0xFFFFFFFF  }
0xb1: {  	s28 =	simm.s32 $_size_execute0_lowered;
	s9 =	sadd.s32 s9, s10;
	[dreg:$0x0] =	wrdreg $0x0  }
0xb2: {  	s10 =	sshll.u32 s28, $0x1;
	[dreg:$0x2] =	wrdreg s9  }
0xb3: {  	[dreg:$0x3] =	wrdreg s10  }
0xb4: {  	[dreg:$0x4] =	wrdreg $0xC0  }
0xb5: {  	_ =	task [dreg:s13], $0x5FFFF  }
0xb6: {  	[dreg:$0x1] =	wrdreg $0xFFFFFFFF  }
0xb7: {  	[dreg:$0x0] =	wrdreg $0x60  }
0xb8: {  	[dreg:$0x2] =	wrdreg s2  }
0xb9: {  	[dreg:$0x3] =	wrdreg s16  }
0xba: {  	[dreg:$0x4] =	wrdreg s5  }
0xbb: {  	[dreg:$0x5] =	wrdreg s6  }
0xbc: {  	[dreg:$0x6] =	wrdreg s7  }
0xbd: {  	[dreg:$0x7] =	wrdreg s17  }
0xbe: {  	[dreg:$0x8] =	wrdreg s18  }
0xbf: {  	[dreg:$0x9] =	wrdreg $0x9  }
0xc0: {  	_ =	task.clear_ibuf [dreg:s13], $0xAFFFF;
	_ =	strace $0x90000046  }
0xc1: {  	s29 =	simm.s32 $0x9;
	_ =	strace $0x80000048  }
0xc2: {  	_ =	swait.ge [sflag:s29], $0x1  }
0xc3: {  	[sflag:s29] =	ssyncadd.s32 $0xFFFFFFFF  }
0xc4: {  	_ =	strace $0x90000048  }
0xc5: {  	_ =	sfence  }
0xc6: {  	s30 =	sld [smem:$0x0];
	_ =	sdelay $0x2  }
0xc7: {  	s31 =	sshll.u32 s1, $0xD;
	s1 =	sshrl.u32 s1, $0x2  }
0xc8: {  	s3 =	sand.u32 $0x4000, s31;
	s1 =	sadd.s32 s1, s30  }
0xc9: {  	s0 =	sor.u32 s3, s0;
	s1 =	sshll.u32 s1, $0x11  }
0xca: {  	s0 =	sor.u32 s1, s0  }
0xcb: {  	s0 =	sadd.s32 $0x8F2B, s0  }
0xcc: {  	[sflag:s0] =	ssyncadd.remote.s32 $0x1  }
0xcd: {  	_ =	sfence.sel $0xFFFF  }
0xce: {  	[dreg:$0x0] =	wrdreg $0xFFFFFFFF;
	(pc) =	sbr.abs _section_cstart, $3  }
0xcf: {  	[dreg:$0x1] =	wrdreg $0xFFFFFFFF  }
0xd0: {  	_ =	task.clear_ibuf [dreg:s13], $0x2FFFF;
	_ =	strace $0x9FFFFFFF  }
0xd1: {  	(tm) =	ssettm $0x7FFFFFFF  }
tec
execute0_lowered:
.L_overlay_start_1:
0x0: {  	(tag) =	ssettag $0x1  }
0x1: {  	v0 =	vimm.s32 $0xFEDCBA98  }
0x2: {  	v1 =	vimm.s32 $0x76543210;
	v2 =	vimm.s32 $0xBA98FEDC;
	v3 =	vimm.s32 $0x32107654  }
0x3: {  	vm0 =	vcmask $0x2F20;
	vm1 =	vcmask $0xF00;
	vm2 =	vcmask $0x700  }
0x4: {  	s2 =	rddreg [dreg:$0x0];
	vm3 =	vcmask $0xB08;
	vm4 =	vcmask $0x300;
	v4 =	vimm.s32 $0xEFCDAB89  }
0x5: {  	s4 =	rddreg [dreg:$0x1];
	v5 =	vimm.s32 $0x67452301;
	v0 =	vunpack.c.l.s4.s8 v0;
	v1 =	vunpack.c.l.s4.s8 v1  }
0x6: {  	s7 =	rddreg [dreg:$0x2];
	v2 =	vunpack.c.l.s4.s8 v2;
	v3 =	vunpack.c.l.s4.s8 v3;
	vm0 =	vmor vm1, vm0  }
0x7: {  	s0 =	rddreg [dreg:$0x3];
	vm1 =	vcmask $0x1710;
	vm3 =	vmor vm4, vm3;
	vm4 =	vcmask $0x1310  }
0x8: {  	s1 =	rddreg [dreg:$0x4];
	v4 =	vunpack.c.l.s4.s8 v4;
	v5 =	vunpack.c.l.s4.s8 v5;
	v0 =	vunpack.c.0.s8.s32 v0  }
0x9: {  	s8 =	rddreg [dreg:$0x5];
	vm3 =	vmor vm3, vm4;
	vm4 =	vcmask $0x1B18;
	v1 =	vunpack.c.0.s8.s32 v1  }
0xa: {  	s9 =	rddreg [dreg:$0x6];
	vm3 =	vmor vm3, vm4;
	vm4 =	vcmask $0x2320;
	v0 =	vand.u32 $0xF, v0  }
0xb: {  	s5 =	srdreg.scid;
	s3 =	simm.s32 $0x0;
	s11 =	stileid.u32;
	v0 =	vcombine.low v0, v1;
	v1 =	vunpack.c.0.s8.s32 v2;
	v2 =	vunpack.c.0.s8.s32 v3  }
0xc: {  	s12 =	simm.s32 $0x400;
	s13 =	simm.s32 $0x1;
	s18 =	simm.s32 $0x8600;
	vm1 =	vmor vm2, vm1;
	vm2 =	vcmask $0x2720;
	vm3 =	vmor vm3, vm4  }
0xd: {  	s14 =	simm.s32 $0x40;
	s19 =	simm.s32 $0x240;
	s20 =	simm.s32 $0x6600;
	v3 =	vimm.s32 $0x54761032;
	v1 =	vcombine.low v2, v1;
	v2 =	vimm.s32 $0xDCFE98BA  }
0xe: {  	s21 =	simm.s32 $0x440;
	s22 =	simm.s32 $0xA600;
	s23 =	simm.s32 $0xCE00;
	vm4 =	vcmask $0x2B28;
	v3 =	vunpack.c.l.s4.s8 v3;
	v2 =	vunpack.c.l.s4.s8 v2  }
0xf: {  	s24 =	simm.s32 $0xD000;
	s25 =	simm.s32 $0x0;
	s5 =	sand.u32 $0x1, s5;
	v4 =	vunpack.c.0.s8.s32 v4;
	v5 =	vunpack.c.0.s8.s32 v5;
	vm3 =	vmor vm3, vm4  }
0x10: {  	s11 =	sshll.u32 s11, $0x7;
	s6 =	ssub.s32 $0x2, s5;
	s5 =	sshll.u32 s5, $0x6;
	vm4 =	vcmask $0x3330;
	v3 =	vunpack.c.0.s8.s32 v3;
	v2 =	vunpack.c.0.s8.s32 v2  }
0x11: {  	[smem:$0x7FF] =	sst s3;
	vm1 =	vmor vm1, vm2;
	vm2 =	vcmask $0x3730;
	s10 =	sshrl.u32 s6, $0x1;
	s11 =	sor.u32 s5, s11;
	vm3 =	vmor vm3, vm4  }
0x12: {  	_ =	strace $0x80000047;
	s10 =	ssub.s32 s6, s10;
	s5 =	sadd.s32 s2, s11;
	vm4 =	vcmask $0x3B38;
	v2 =	vcombine.low v3, v2;
	v3 =	vcombine.low v5, v4  }
0x13: {  	s6 =	sadd.s32 s4, s11;
	s7 =	sadd.s32 s7, s11;
	s8 =	sadd.s32 s8, s11;
	vm1 =	vmor vm1, vm2;
	vm2 =	vmmov $0xff;
	vm3 =	vmor vm3, vm4  }
0x14: {  	s9 =	sadd.s32 s9, s11;
	s11 =	simm.s32 $0x200;
	s10 =	smax.u32 s10, $0x1;
	v1 =	vand.u32 $0xF, v1;
	v2 =	vand.u32 $0xF, v2;
	v3 =	vand.u32 $0xF, v3  }
.LBB2_1:
0x15: {  	[tilespmem:s3], [sflag:$0x1] =	stream.linear.gather [hbm4b:s5+s3], $0x200, $0x38;
	[tilespmem:$0xD200] =	vst v63  }
0x16: {  	_ = 	snop  }
0x17: {  	[tilespmem:s11], [sflag:$0x1] =	stream.linear.gather [hbm4b:s6+s3], $0x200, $0x38;
	[tilespmem:$0xD200] =	vst v63  }
0x18: {  	_ = 	snop  }
0x19: {  	[tilespmem:s12], [sflag:$0x1] =	stream.linear.gather [hbm4b:s7+s3], $0x200, $0x38;
	[tilespmem:$0xD200] =	vst v63  }
0x1a: {  	_ =	swait.ge [sflag:s13], $0x200  }
0x1b: {  	[sflag:s13] =	ssyncset.done $0x0  }
0x1c: {  	s2 =	simm.s32 $0x600;
	[sflag:s13] =	ssyncadd.s32 $0xFFFFFE00  }
0x1d: {  	[tilespmem:s2], [sflag:$0x2] =	stream.indirect.gather [hbm4b:s0+s14], $0x80, s3, s14, $0xb8;
	[tilespmem:$0xD200] =	vst v63  }
0x1e: {  	s30 =	simm.s32 $0x2600  }
0x1f: {  	[tilespmem:s30], [sflag:$0x3] =	stream.indirect.gather [hbm4b:s0+s14], $0x80, s14, s14, $0xb8;
	[tilespmem:$0xD200] =	vst v63  }
0x20: {  	_ =	swait.ge [sflag:s13], $0x200  }
0x21: {  	[sflag:s13] =	ssyncset.done $0x0  }
0x22: {  	[sflag:s13] =	ssyncadd.s32 $0xFFFFFE00  }
0x23: {  	_ =	swait.ge [sflag:s13], $0x200  }
0x24: {  	[sflag:s13] =	ssyncset.done $0x0  }
0x25: {  	s31 =	simm.s32 $0x4600;
	[sflag:s13] =	ssyncadd.s32 $0xFFFFFE00  }
0x26: {  	[tilespmem:s31], [sflag:$0x2] =	stream.indirect.gather [hbm4b:s1+s14], $0x80, s11, s14, $0xb8;
	[tilespmem:$0xD200] =	vst v63  }
0x27: {  	_ = 	snop  }
0x28: {  	[tilespmem:s18], [sflag:$0x2] =	stream.indirect.gather [hbm4b:s1+s14], $0x80, s12, s14, $0xb8;
	[tilespmem:$0xD200] =	vst v63  }
0x29: {  	p0 =	por $0x0, $0x0  }
0x2a: {  	[tilespmem:s20], [sflag:$0x3] =	stream.indirect.gather [hbm4b:s1+s14], $0x80, s19, s14, $0xb8;
	[tilespmem:$0xD200] =	vst v63  }
0x2b: {  	s26 =	simm.s32 $0xCE00;
	s28 =	simm.s32 $0xD000;
	s29 =	simm.s32 $0x0  }
0x2c: {  	[tilespmem:s22], [sflag:$0x3] =	stream.indirect.gather [hbm4b:s1+s14], $0x80, s21, s14, $0xb8;
	[tilespmem:$0xD200] =	vst v63  }
.LBB2_2:
0x2d: {  	s30 =	sand.u32 $0x1, s29  }
0x2e: {  	s2 =	simm.s32 $0x2;
	p1 =	seq.s32 s30, $0x0  }
0x2f: {  	s2 =	simm.s32 @!p1 $0x3  }
0x30: {  	_ =	swait.ge [sflag:s2], $0x2000  }
0x31: {  	s4 =	simm.s32 $0x1;
	[sflag:s2] =	ssyncset.done $0x0  }
0x32: {  	s4 =	simm.s32 @!p0 $0x0;
	[sflag:s2] =	ssyncadd.s32 $0xFFFFE000  }
0x33: {  	s4 =	sshll.u32 s4, $0xD;
	_ =	swait.ge [sflag:s2], $0x2000  }
0x34: {  	s16 =	sor.u32 $0x600, s4;
	[sflag:s2] =	ssyncset.done $0x0  }
0x35: {  	v4 =	vmov s16;
	[sflag:s2] =	ssyncadd.s32 $0xFFFFE000  }
0x36: {  	s15 =	simm.s32 $0xCA10;
	_ =	swait.ge [sflag:s2], $0x2000  }
0x37: {  	s17 =	sor.u32 $0x4600, s4;
	s31 =	sor.u32 $0x8600, s4;
	[sflag:s2] =	ssyncset.done $0x0  }
0x38: {  	s4 =	simm.s32 $0xC610;
	v5 =	vmov s17;
	v6 =	vmov s31;
	[sflag:s2] =	ssyncadd.s32 $0xFFFFE000;
	s2 =	simm.s32 $0x0  }
.LBB2_3:
0x39: {  	s16 =	sshra.s32 s2, $0x2  }
0x3a: {  	v7 =	vld.idx.msk [tilespmem:v4+s16+$0x0 ss:$0x1], $0xffff  }
0x3b: {  	v8 =	vld.idx.msk [tilespmem:v4+s16+$0x10 ss:$0x1], $0xffff  }
0x3c: {  	v9 =	vld.idx.msk [tilespmem:v4+s16+$0x20 ss:$0x1], $0xffff  }
0x3d: {  	v10 =	vld.idx.msk [tilespmem:v4+s16+$0x30 ss:$0x1], $0xffff  }
0x3e: {  	v11 =	vld.idx.msk [tilespmem:v4+s16+$0x40 ss:$0x1], $0xffff  }
0x3f: {  	v12 =	vld.idx.msk [tilespmem:v4+s16+$0x50 ss:$0x1], $0xffff  }
0x40: {  	v13 =	vld.idx.msk [tilespmem:v4+s16+$0x60 ss:$0x1], $0xffff  }
0x41: {  	v14 =	vld.idx.msk [tilespmem:v4+s16+$0x70 ss:$0x1], $0xffff  }
0x42: {  	v15 =	vld.idx.msk [tilespmem:v5+s16+$0x0 ss:$0x1], $0xffff  }
0x43: {  	v16 =	vld.idx.msk [tilespmem:v5+s16+$0x10 ss:$0x1], $0xffff  }
0x44: {  	v17 =	vld.idx.msk [tilespmem:v5+s16+$0x20 ss:$0x1], $0xffff  }
0x45: {  	v18 =	vld.idx.msk [tilespmem:v5+s16+$0x30 ss:$0x1], $0xffff  }
0x46: {  	v19 =	vld.idx.msk [tilespmem:v5+s16+$0x40 ss:$0x1], $0xffff  }
0x47: {  	v20 =	vld.idx.msk [tilespmem:v5+s16+$0x50 ss:$0x1], $0xffff  }
0x48: {  	v21 =	vld.idx.msk [tilespmem:v5+s16+$0x60 ss:$0x1], $0xffff  }
0x49: {  	v22 =	vld.idx.msk [tilespmem:v5+s16+$0x70 ss:$0x1], $0xffff  }
0x4a: {  	v23 =	vld.idx.msk [tilespmem:v6+s16+$0x0 ss:$0x1], $0xffff  }
0x4b: {  	v24 =	vld.idx.msk [tilespmem:v6+s16+$0x10 ss:$0x1], $0xffff  }
0x4c: {  	v25 =	vld.idx.msk [tilespmem:v6+s16+$0x20 ss:$0x1], $0xffff  }
0x4d: {  	v26 =	vld.idx.msk [tilespmem:v6+s16+$0x30 ss:$0x1], $0xffff  }
0x4e: {  	v27 =	vld.idx.msk [tilespmem:v6+s16+$0x40 ss:$0x1], $0xffff;
	v15 =	vmul.f32 v15, v7;
	v16 =	vmul.f32 v16, v8  }
0x4f: {  	v28 =	vld.idx.msk [tilespmem:v6+s16+$0x50 ss:$0x1], $0xffff;
	v17 =	vmul.f32 v17, v9;
	v18 =	vmul.f32 v18, v10  }
0x50: {  	v29 =	vld.idx.msk [tilespmem:v6+s16+$0x60 ss:$0x1], $0xffff;
	v19 =	vmul.f32 v19, v11;
	v20 =	vmul.f32 v20, v12  }
0x51: {  	v30 =	vld.idx.msk [tilespmem:v6+s16+$0x70 ss:$0x1], $0xffff;
	v21 =	vmul.f32 v21, v13;
	v22 =	vmul.f32 v22, v14  }
0x52: {  	v7 =	vmul.f32 v23, v7;
	v8 =	vmul.f32 v24, v8  }
0x53: {  	v9 =	vmul.f32 v25, v9;
	v10 =	vmul.f32 v26, v10  }
0x54: {  	v11 =	vmul.f32 v27, v11;
	v12 =	vmul.f32 v28, v12  }
0x55: {  	v13 =	vmul.f32 v29, v13;
	v15 =	vadd.f32 v16, v15;
	v27 =	vadd.f32 v18, v17  }
0x56: {  	v14 =	vmul.f32 v30, v14;
	v28 =	vadd.f32 v20, v19;
	v29 =	vadd.f32 v22, v21  }
0x57: {  	v7 =	vadd.f32 v8, v7;
	v8 =	vadd.f32 v10, v9  }
0x58: {  	v30 =	vadd.f32 v12, v11;
	v31 =	vadd.f32 v14, v13  }
0x59: {  	v32 =	vadd.f32 v27, v15;
	v33 =	vadd.f32 v29, v28  }
0x5a: {  	v7 =	vadd.f32 v8, v7;
	v8 =	vadd.f32 v31, v30  }
0x5b: {  	v34 =	vadd.f32 v33, v32  }
0x5c: {  	v7 =	vadd.f32 v8, v7  }
0x5d: {  	[tilespmem:s4+$0xFFFFFFF0] =	vst v34  }
0x5e: {  	[tilespmem:s15+$0xFFFFFFF0] =	vst v7  }
0x5f: {  	v7 =	vld.idx.msk [tilespmem:v4+s16+$0x80 ss:$0x1], $0xffff  }
0x60: {  	v8 =	vld.idx.msk [tilespmem:v4+s16+$0x90 ss:$0x1], $0xffff  }
0x61: {  	v9 =	vld.idx.msk [tilespmem:v4+s16+$0xA0 ss:$0x1], $0xffff  }
0x62: {  	v35 =	vld.idx.msk [tilespmem:v4+s16+$0xB0 ss:$0x1], $0xffff  }
0x63: {  	v36 =	vld.idx.msk [tilespmem:v4+s16+$0xC0 ss:$0x1], $0xffff  }
0x64: {  	v37 =	vld.idx.msk [tilespmem:v4+s16+$0xD0 ss:$0x1], $0xffff  }
0x65: {  	v38 =	vld.idx.msk [tilespmem:v4+s16+$0xE0 ss:$0x1], $0xffff  }
0x66: {  	v39 =	vld.idx.msk [tilespmem:v4+s16+$0xF0 ss:$0x1], $0xffff  }
0x67: {  	v40 =	vld.idx.msk [tilespmem:v5+s16+$0x80 ss:$0x1], $0xffff  }
0x68: {  	v41 =	vld.idx.msk [tilespmem:v5+s16+$0x90 ss:$0x1], $0xffff  }
0x69: {  	v42 =	vld.idx.msk [tilespmem:v5+s16+$0xA0 ss:$0x1], $0xffff  }
0x6a: {  	v43 =	vld.idx.msk [tilespmem:v5+s16+$0xB0 ss:$0x1], $0xffff  }
0x6b: {  	v44 =	vld.idx.msk [tilespmem:v5+s16+$0xC0 ss:$0x1], $0xffff  }
0x6c: {  	v45 =	vld.idx.msk [tilespmem:v5+s16+$0xD0 ss:$0x1], $0xffff  }
0x6d: {  	v46 =	vld.idx.msk [tilespmem:v5+s16+$0xE0 ss:$0x1], $0xffff  }
0x6e: {  	v47 =	vld.idx.msk [tilespmem:v5+s16+$0xF0 ss:$0x1], $0xffff  }
0x6f: {  	v48 =	vld.idx.msk [tilespmem:v6+s16+$0x80 ss:$0x1], $0xffff  }
0x70: {  	v49 =	vld.idx.msk [tilespmem:v6+s16+$0x90 ss:$0x1], $0xffff  }
0x71: {  	v50 =	vld.idx.msk [tilespmem:v6+s16+$0xA0 ss:$0x1], $0xffff  }
0x72: {  	v51 =	vld.idx.msk [tilespmem:v6+s16+$0xB0 ss:$0x1], $0xffff  }
0x73: {  	v52 =	vld.idx.msk [tilespmem:v6+s16+$0xC0 ss:$0x1], $0xffff;
	v15 =	vmul.f32 v40, v7;
	v16 =	vmul.f32 v41, v8  }
0x74: {  	v53 =	vld.idx.msk [tilespmem:v6+s16+$0xD0 ss:$0x1], $0xffff;
	v17 =	vmul.f32 v42, v9;
	v18 =	vmul.f32 v43, v35  }
0x75: {  	v54 =	vld.idx.msk [tilespmem:v6+s16+$0xE0 ss:$0x1], $0xffff;
	v19 =	vmul.f32 v44, v36;
	v20 =	vmul.f32 v45, v37  }
0x76: {  	v55 =	vld.idx.msk [tilespmem:v6+s16+$0xF0 ss:$0x1], $0xffff;
	v21 =	vmul.f32 v46, v38;
	v22 =	vmul.f32 v47, v39  }
0x77: {  	v7 =	vmul.f32 v48, v7;
	v8 =	vmul.f32 v49, v8  }
0x78: {  	v9 =	vmul.f32 v50, v9;
	v10 =	vmul.f32 v51, v35  }
0x79: {  	v11 =	vmul.f32 v52, v36;
	v12 =	vmul.f32 v53, v37  }
0x7a: {  	v13 =	vmul.f32 v54, v38;
	v15 =	vadd.f32 v16, v15;
	v56 =	vadd.f32 v18, v17  }
0x7b: {  	v14 =	vmul.f32 v55, v39;
	v57 =	vadd.f32 v20, v19;
	v58 =	vadd.f32 v22, v21  }
0x7c: {  	v7 =	vadd.f32 v8, v7;
	v8 =	vadd.f32 v10, v9  }
0x7d: {  	v59 =	vadd.f32 v12, v11;
	v60 =	vadd.f32 v14, v13  }
0x7e: {  	p1 =	seq.s32 s2, $0x7C00;
	v61 =	vadd.f32 v56, v15;
	v62 =	vadd.f32 v58, v57  }
.Ltmp0:
0x7f: {  	v7 =	vadd.f32 v8, v7;
	v8 =	vadd.f32 v60, v59;
	(pc) =	sbr.rel @!p1 .LBB2_3-.Ltmp0, $4  }
0x80: {  	v63 =	vadd.f32 v62, v61  }
0x81: {  	v7 =	vadd.f32 v8, v7  }
0x82: {  	[tilespmem:s4+$0x0] =	vst v63  }
0x83: {  	s2 =	sadd.s32 $0x400, s2;
	s4 =	sadd.s32 $0x20, s4;
	[tilespmem:s15+$0x0] =	vst v7;
	s15 =	sadd.s32 $0x20, s15  }
0x84: {  	s4 =	simm.s32 $0xC680  }
0x85: {  	v6 =	vld [tilespmem:s4+$0x50]  }
0x86: {  	v7 =	vld [tilespmem:s4+$0xFFFFFFD0]  }
0x87: {  	v9 =	vld [tilespmem:s4+$0x70]  }
0x88: {  	v10 =	vld [tilespmem:s4+$0xFFFFFFF0]  }
0x89: {  	v11 =	vld [tilespmem:s4+$0x30]  }
0x8a: {  	v12 =	vld [tilespmem:s4+$0xFFFFFFB0]  }
0x8b: {  	v13 =	vld [tilespmem:s4+$0x10]  }
0x8c: {  	v14 =	vld [tilespmem:s4+$0xFFFFFF90]  }
0x8d: {  	v15 =	vld [tilespmem:s4+$0x60]  }
0x8e: {  	v16 =	vld [tilespmem:s4+$0xFFFFFFE0]  }
0x8f: {  	v17 =	vld [tilespmem:s4+$0x20]  }
0x90: {  	v50 =	vld [tilespmem:s4+$0x40]  }
0x91: {  	v21 =	vld [tilespmem:s4+$0xFFFFFFC0];
	v18 =	vsel vm2, v11, v12  }
0x92: {  	v19 =	vld [tilespmem:s4+$0xFFFFFFA0];
	v20 =	vsel vm2, v10, v9;
	v9 =	vsel vm2, v9, v10;
	v10 =	vperm.xlane v18, v0  }
0x93: {  	v8 =	vld [tilespmem:s4+$0xFFFFFF80];
	v11 =	vsel vm2, v12, v11;
	v12 =	vsel vm2, v14, v13;
	v13 =	vsel vm2, v13, v14  }
0x94: {  	v14 =	vsel vm2, v6, v7;
	v51 =	vsel vm2, v16, v15;
	v10 =	vadd.f32 v10, v11;
	v11 =	vld [tilespmem:s4+$0x0]  }
0x95: {  	v15 =	vsel vm2, v15, v16;
	v6 =	vsel vm2, v7, v6;
	v9 =	vperm.xlane v9, v0  }
0x96: {  	v52 =	vsel vm2, v50, v21;
	v14 =	vperm.xlane v14, v0;
	v13 =	vperm.xlane v13, v0  }
0x97: {  	v7 =	vperm.xlane v15, v0;
	v15 =	vsel vm2, v19, v17;
	v16 =	vperm.xlane v52, v0  }
0x98: {  	v9 =	vadd.f32 v9, v20;
	v6 =	vadd.f32 v14, v6;
	v14 =	vsel vm2, v17, v19  }
0x99: {  	v12 =	vadd.f32 v13, v12;
	v13 =	vperm.xlane v14, v0;
	v53 =	vsel vm2, v11, v8  }
0x9a: {  	v18 =	vsel vm2, v21, v50;
	v7 =	vadd.f32 v7, v51;
	v17 =	vperm.xlane v53, v0  }
0x9b: {  	v14 =	vsel vm0, v9, v10;
	v13 =	vadd.f32 v13, v15;
	v8 =	vsel vm2, v8, v11  }
0x9c: {  	v15 =	vadd.f32 v16, v18;
	v11 =	vsel vm0, v6, v12;
	v8 =	vadd.f32 v17, v8  }
0x9d: {  	v9 =	vsel vm0, v10, v9;
	v6 =	vsel vm0, v12, v6;
	v10 =	vperm.xlane v11, v1  }
0x9e: {  	v11 =	vperm.xlane v14, v1;
	v14 =	vsel vm0, v7, v13;
	v12 =	vsel vm0, v15, v8  }
0x9f: {  	v14 =	vperm.xlane v14, v1;
	v6 =	vadd.f32 v6, v10;
	v10 =	vperm.xlane v12, v1  }
0xa0: {  	v7 =	vsel vm0, v13, v7;
	v9 =	vadd.f32 v9, v11;
	v8 =	vsel vm0, v8, v15  }
0xa1: {  	v7 =	vadd.f32 v7, v14;
	v8 =	vadd.f32 v8, v10;
	_ =	sdelay $0x1  }
0xa2: {  	v10 =	vsel vm1, v9, v6;
	v11 =	vsel vm1, v7, v8  }
0xa3: {  	v10 =	vperm.xlane v10, v2;
	v11 =	vperm.xlane v11, v2  }
0xa4: {  	v6 =	vsel vm1, v6, v9;
	v7 =	vsel vm1, v8, v7  }
0xa5: {  	v6 =	vadd.f32 v6, v10;
	v7 =	vadd.f32 v7, v11;
	_ =	sdelay $0x1  }
0xa6: {  	v5 =	vmov s26;
	v8 =	vsel vm3, v6, v7  }
0xa7: {  	v8 =	vperm.xlane v8, v3  }
0xa8: {  	v6 =	vsel vm3, v7, v6  }
0xa9: {  	v6 =	vadd.f32 v6, v8  }
0xaa: {  	s16 =	simm.s32 $0x0  }
0xab: {  	s2 =	simm.s32 $0xCA80;
	[tilespmem:v5+s16+$0x0 ss:$0x1] =	vst.idx.msk $0xffff, v6  }
0xac: {  	v6 =	vld [tilespmem:s2+$0xFFFFFF80]  }
0xad: {  	v7 =	vld [tilespmem:s2+$0x0]  }
0xae: {  	v8 =	vld [tilespmem:s2+$0xFFFFFFC0]  }
0xaf: {  	v9 =	vld [tilespmem:s2+$0x40]  }
0xb0: {  	v10 =	vld [tilespmem:s2+$0xFFFFFFA0]  }
0xb1: {  	v11 =	vld [tilespmem:s2+$0x20]  }
0xb2: {  	v12 =	vld [tilespmem:s2+$0xFFFFFFE0]  }
0xb3: {  	v13 =	vld [tilespmem:s2+$0x70]  }
0xb4: {  	v14 =	vld [tilespmem:s2+$0xFFFFFFF0]  }
0xb5: {  	v55 =	vld [tilespmem:s2+$0x30]  }
0xb6: {  	v56 =	vld [tilespmem:s2+$0x60];
	v15 =	vsel vm2, v7, v6;
	v54 =	vsel vm2, v9, v8;
	v6 =	vsel vm2, v6, v7  }
0xb7: {  	v7 =	vsel vm2, v8, v9;
	v8 =	vld [tilespmem:s2+$0xFFFFFFB0];
	v15 =	vperm.xlane v15, v0;
	v16 =	vperm.xlane v54, v0  }
0xb8: {  	v57 =	vld [tilespmem:s2+$0xFFFFFFD0]  }
0xb9: {  	v58 =	vld [tilespmem:s2+$0x10];
	v9 =	vadd.f32 v15, v6;
	v6 =	vsel vm2, v11, v10;
	v7 =	vadd.f32 v16, v7  }
0xba: {  	v4 =	vmov s28;
	v15 =	vld [tilespmem:s2+$0x50];
	v10 =	vsel vm2, v10, v11;
	v11 =	vperm.xlane v6, v0  }
0xbb: {  	v59 =	vld [tilespmem:s2+$0xFFFFFF90];
	v6 =	vsel vm0, v9, v7;
	v7 =	vsel vm0, v7, v9;
	v9 =	vsel vm2, v13, v14  }
0xbc: {  	v13 =	vsel vm2, v14, v13;
	v14 =	vsel vm2, v56, v12;
	v60 =	vsel vm2, v55, v8  }
0xbd: {  	v12 =	vsel vm2, v12, v56;
	v7 =	vperm.xlane v7, v1;
	v14 =	vperm.xlane v14, v0  }
0xbe: {  	v17 =	vsel vm2, v8, v55;
	v9 =	vperm.xlane v9, v0;
	v61 =	vperm.xlane v60, v0  }
0xbf: {  	v11 =	vadd.f32 v11, v10;
	v12 =	vadd.f32 v14, v12;
	v10 =	vsel vm2, v15, v57  }
0xc0: {  	v8 =	vadd.f32 v9, v13;
	v9 =	vsel vm2, v57, v15;
	v15 =	vsel vm2, v58, v59  }
0xc1: {  	v13 =	vperm.xlane v10, v0;
	v10 =	vadd.f32 v61, v17;
	v14 =	vsel vm0, v12, v11  }
0xc2: {  	v62 =	vsel vm2, v59, v58;
	v15 =	vperm.xlane v15, v0;
	v14 =	vperm.xlane v14, v1  }
0xc3: {  	v63 =	vsel vm0, v11, v12;
	v17 =	vsel vm0, v8, v10;
	v11 =	vadd.f32 v13, v9  }
0xc4: {  	s31 =	sshll.u32 s29, $0x6;
	s15 =	simm.s32 $0x40;
	v13 =	vadd.f32 v15, v62;
	v12 =	vperm.xlane v17, v1;
	v9 =	vadd.f32 v63, v14  }
.LBB2_5:
0xc5: {  	_ = 	snop  }
0xc6: {  	p1 =	sne.s32 s15, $0xC0;
	s2 =	sadd.s32 $0x100, s2;
	s4 =	sadd.s32 $0x100, s4;
	v14 =	vsel vm0, v11, v13  }
0xc7: {  	v8 =	vsel vm0, v10, v8;
	s17 =	smov.u32 s15;
	s15 =	sadd.s32 $0x40, s15;
	v14 =	vperm.xlane v14, v1  }
0xc8: {  	v10 =	vsel vm0, v13, v11;
	v8 =	vadd.f32 v8, v12  }
0xc9: {  	v6 =	vadd.f32 v6, v7;
	v7 =	vadd.f32 v10, v14;
	_ =	sdelay $0x1  }
0xca: {  	v10 =	vsel vm1, v9, v6;
	v11 =	vsel vm1, v7, v8;
	v7 =	vsel vm1, v8, v7  }
0xcb: {  	v8 =	vperm.xlane v10, v2;
	v7 =	vperm.xlane v7, v2  }
0xcc: {  	v6 =	vsel vm1, v6, v9  }
0xcd: {  	v6 =	vadd.f32 v6, v8;
	v7 =	vadd.f32 v11, v7;
	_ =	sdelay $0x1  }
0xce: {  	v8 =	vsel vm3, v7, v6  }
0xcf: {  	v8 =	vperm.xlane v8, v3  }
0xd0: {  	v6 =	vsel vm3, v6, v7  }
0xd1: {  	v6 =	vadd.f32 v6, v8;
	_ =	sdelay $0x1  }
0xd2: {  	[tilespmem:v4+s16+$0x0 ss:$0x1] =	vst.idx.msk $0xffff, v6  }
0xd3: {  	v6 =	vld [tilespmem:s4+$0x50]  }
0xd4: {  	v7 =	vld [tilespmem:s4+$0xFFFFFFD0]  }
0xd5: {  	v8 =	vld [tilespmem:s4+$0xFFFFFF80]  }
0xd6: {  	v9 =	vld [tilespmem:s4+$0x70]  }
0xd7: {  	v10 =	vld [tilespmem:s4+$0xFFFFFFF0]  }
0xd8: {  	v11 =	vld [tilespmem:s4+$0x30]  }
0xd9: {  	v12 =	vld [tilespmem:s4+$0xFFFFFFB0]  }
0xda: {  	v14 =	vsel vm2, v6, v7;
	v13 =	vld [tilespmem:s4+$0x10]  }
0xdb: {  	v15 =	vld [tilespmem:s4+$0xFFFFFF90]  }
0xdc: {  	v16 =	vld [tilespmem:s4+$0x60];
	v17 =	vsel vm2, v10, v9;
	v9 =	vsel vm2, v9, v10  }
0xdd: {  	v10 =	vld [tilespmem:s4+$0xFFFFFFE0]  }
0xde: {  	v18 =	vld [tilespmem:s4+$0x20];
	v19 =	vsel vm2, v12, v11;
	v11 =	vsel vm2, v11, v12  }
0xdf: {  	v9 =	vperm.xlane v9, v0;
	v12 =	vld [tilespmem:s4+$0xFFFFFFA0];
	v11 =	vperm.xlane v11, v0  }
0xe0: {  	v14 =	vperm.xlane v14, v0;
	v20 =	vld [tilespmem:s4+$0x40];
	v21 =	vsel vm2, v15, v13;
	v13 =	vsel vm2, v13, v15  }
0xe1: {  	v9 =	vadd.f32 v9, v17;
	v15 =	vld [tilespmem:s4+$0xFFFFFFC0];
	v13 =	vperm.xlane v13, v0;
	v11 =	vadd.f32 v11, v19  }
0xe2: {  	v6 =	vsel vm2, v7, v6;
	v17 =	vld [tilespmem:s4+$0x0];
	v19 =	vsel vm2, v10, v16;
	v10 =	vsel vm2, v16, v10  }
0xe3: {  	v6 =	vadd.f32 v14, v6;
	v7 =	vperm.xlane v10, v0;
	v10 =	vsel vm0, v11, v9  }
0xe4: {  	v13 =	vadd.f32 v13, v21;
	v14 =	vsel vm2, v12, v18;
	v12 =	vsel vm2, v18, v12  }
0xe5: {  	v9 =	vsel vm0, v9, v11;
	v12 =	vperm.xlane v12, v0  }
0xe6: {  	v7 =	vadd.f32 v7, v19;
	v16 =	vsel vm0, v6, v13;
	v11 =	vsel vm2, v20, v15  }
0xe7: {  	v16 =	vperm.xlane v16, v1;
	v18 =	vsel vm2, v17, v8;
	v11 =	vperm.xlane v11, v0  }
0xe8: {  	v15 =	vsel vm2, v15, v20;
	v12 =	vadd.f32 v12, v14;
	v18 =	vperm.xlane v18, v0  }
0xe9: {  	v9 =	vperm.xlane v9, v1;
	v8 =	vsel vm2, v8, v17;
	v11 =	vadd.f32 v11, v15  }
0xea: {  	v6 =	vsel vm0, v13, v6;
	v14 =	vsel vm0, v7, v12;
	v8 =	vadd.f32 v18, v8  }
0xeb: {  	v9 =	vadd.f32 v10, v9;
	v6 =	vadd.f32 v6, v16;
	v13 =	vperm.xlane v14, v1  }
0xec: {  	v7 =	vsel vm0, v12, v7;
	v10 =	vsel vm0, v11, v8  }
0xed: {  	v12 =	vsel vm1, v6, v9;
	v6 =	vsel vm1, v9, v6;
	v10 =	vperm.xlane v10, v1  }
0xee: {  	v8 =	vsel vm0, v8, v11  }
0xef: {  	v7 =	vadd.f32 v7, v13;
	v8 =	vadd.f32 v8, v10;
	_ =	sdelay $0x1  }
0xf0: {  	v9 =	vsel vm1, v7, v8  }
0xf1: {  	v6 =	vperm.xlane v6, v2;
	v9 =	vperm.xlane v9, v2  }
0xf2: {  	v7 =	vsel vm1, v8, v7  }
0xf3: {  	v6 =	vadd.f32 v12, v6;
	v7 =	vadd.f32 v7, v9;
	_ =	sdelay $0x1  }
0xf4: {  	v8 =	vsel vm3, v7, v6;
	v6 =	vsel vm3, v6, v7  }
0xf5: {  	v6 =	vperm.xlane v6, v3;
	_ =	sdelay $0x1  }
0xf6: {  	v6 =	vadd.f32 v8, v6  }
0xf7: {  	s16 =	sshra.s32 s17, $0x2  }
0xf8: {  	[tilespmem:v5+s16+$0x0 ss:$0x1] =	vst.idx.msk $0xffff, v6  }
0xf9: {  	v6 =	vld [tilespmem:s2+$0xFFFFFF80]  }
0xfa: {  	v7 =	vld [tilespmem:s2+$0x0]  }
0xfb: {  	v8 =	vld [tilespmem:s2+$0xFFFFFFC0]  }
0xfc: {  	v9 =	vld [tilespmem:s2+$0x40]  }
0xfd: {  	v10 =	vld [tilespmem:s2+$0xFFFFFFA0]  }
0xfe: {  	v11 =	vld [tilespmem:s2+$0x20]  }
0xff: {  	v12 =	vsel vm2, v6, v7;
	v6 =	vsel vm2, v7, v6;
	v13 =	vld [tilespmem:s2+$0xFFFFFFE0]  }
0x100: {  	v6 =	vperm.xlane v6, v0;
	v14 =	vld [tilespmem:s2+$0x70]  }
0x101: {  	v7 =	vsel vm2, v8, v9;
	v8 =	vsel vm2, v9, v8;
	v9 =	vld [tilespmem:s2+$0xFFFFFFF0]  }
0x102: {  	v12 =	vadd.f32 v6, v12;
	v6 =	vperm.xlane v8, v0;
	v8 =	vld [tilespmem:s2+$0x30]  }
0x103: {  	v15 =	vsel vm2, v10, v11;
	v10 =	vsel vm2, v11, v10;
	v11 =	vld [tilespmem:s2+$0x60]  }
0x104: {  	v7 =	vadd.f32 v6, v7;
	v10 =	vperm.xlane v10, v0;
	v16 =	vld [tilespmem:s2+$0xFFFFFFB0]  }
0x105: {  	v17 =	vld [tilespmem:s2+$0x50]  }
0x106: {  	v6 =	vsel vm0, v12, v7;
	v7 =	vsel vm0, v7, v12;
	v12 =	vld [tilespmem:s2+$0xFFFFFFD0];
	v18 =	vsel vm2, v14, v9  }
0x107: {  	v9 =	vsel vm2, v9, v14;
	v7 =	vperm.xlane v7, v1;
	v19 =	vld [tilespmem:s2+$0x10];
	v14 =	vperm.xlane v18, v0  }
0x108: {  	v18 =	vsel vm2, v13, v11;
	v11 =	vsel vm2, v11, v13;
	v13 =	vld [tilespmem:s2+$0xFFFFFF90]  }
0x109: {  	v11 =	vperm.xlane v11, v0;
	v20 =	vsel vm2, v16, v8;
	v8 =	vsel vm2, v8, v16  }
0x10a: {  	v16 =	vperm.xlane v8, v0;
	v8 =	vadd.f32 v14, v9  }
0x10b: {  	v9 =	vadd.f32 v10, v15;
	v11 =	vadd.f32 v11, v18;
	v10 =	vsel vm2, v17, v12  }
.Ltmp1:
0x10c: {  	v12 =	vsel vm2, v12, v17;
	v14 =	vperm.xlane v10, v0;
	v10 =	vadd.f32 v16, v20;
	(pc) =	sbr.rel @p1 .LBB2_5-.Ltmp1, $4  }
0x10d: {  	v15 =	vsel vm0, v11, v9;
	v16 =	vsel vm2, v13, v19;
	v13 =	vsel vm2, v19, v13  }
0x10e: {  	v15 =	vperm.xlane v15, v1;
	v13 =	vperm.xlane v13, v0;
	v17 =	vsel vm0, v8, v10  }
0x10f: {  	v9 =	vsel vm0, v9, v11;
	v11 =	vadd.f32 v14, v12;
	v12 =	vperm.xlane v17, v1  }
0x110: {  	v9 =	vadd.f32 v9, v15;
	v13 =	vadd.f32 v13, v16  }
0x111: {  	_ = 	snop  }
0x112: {  	v5 =	vsel vm0, v11, v13  }
0x113: {  	v5 =	vperm.xlane v5, v1  }
0x114: {  	v8 =	vsel vm0, v10, v8;
	v6 =	vadd.f32 v6, v7;
	v63 =	vsel vm0, v13, v11  }
0x115: {  	v8 =	vadd.f32 v8, v12;
	v5 =	vadd.f32 v63, v5;
	_ =	sdelay $0x1  }
0x116: {  	v7 =	vsel vm1, v9, v6;
	v10 =	vsel vm1, v8, v5  }
0x117: {  	v7 =	vperm.xlane v7, v2;
	v10 =	vperm.xlane v10, v2  }
0x118: {  	v6 =	vsel vm1, v6, v9;
	v5 =	vsel vm1, v5, v8  }
0x119: {  	v6 =	vadd.f32 v6, v7;
	v5 =	vadd.f32 v5, v10;
	_ =	sdelay $0x1  }
0x11a: {  	v7 =	vsel vm3, v5, v6  }
0x11b: {  	v7 =	vperm.xlane v7, v3  }
0x11c: {  	p1 =	sgt.u32 s29, $0x5;
	v5 =	vsel vm3, v6, v5  }
0x11d: {  	p2 =	sne.s32 @!p1 s30, $0x0;
	v5 =	vadd.f32 v5, v7  }
0x11e: {  	p3 =	por !p2, p1  }
0x11f: {  	s2 =	sadd.s32 @!p1 $0x80, s31;
	s4 =	simm.s32 @!p3 $0x40;
	s15 =	simm.s32 @!p3 $0x2600;
	[tilespmem:v4+s16+$0x0 ss:$0x1] =	vst.idx.msk $0xffff, v5  }
0x120: {  	[tilespmem:s15], [sflag:$0x3] =	stream.indirect.gather @!p3 [hbm4b:s0+s4], $0x80, s2, s4, $0xb8;
	[tilespmem:$0xD200] =	vst v63  }
0x121: {  	s16 =	simm.s32 @!p3 $0x6600;
	s15 =	sadd.s32 @!p1 $0x280, s31  }
0x122: {  	[tilespmem:s16], [sflag:$0x3] =	stream.indirect.gather @!p3 [hbm4b:s1+s4], $0x80, s15, s4, $0xb8;
	[tilespmem:$0xD200] =	vst v63  }
0x123: {  	s17 =	simm.s32 @!p3 $0xA600;
	s16 =	sadd.s32 @!p1 $0x480, s31;
	p1 =	por p2, p1  }
0x124: {  	[tilespmem:s17], [sflag:$0x3] =	stream.indirect.gather @!p3 [hbm4b:s1+s4], $0x80, s16, s4, $0xb8;
	[tilespmem:$0xD200] =	vst v63  }
0x125: {  	s4 =	simm.s32 @!p1 $0x40;
	s17 =	simm.s32 @!p1 $0x600  }
0x126: {  	[tilespmem:s17], [sflag:$0x2] =	stream.indirect.gather @!p1 [hbm4b:s0+s4], $0x80, s2, s4, $0xb8;
	[tilespmem:$0xD200] =	vst v63  }
0x127: {  	s2 =	simm.s32 @!p1 $0x4600  }
0x128: {  	[tilespmem:s2], [sflag:$0x2] =	stream.indirect.gather @!p1 [hbm4b:s1+s4], $0x80, s15, s4, $0xb8;
	[tilespmem:$0xD200] =	vst v63  }
0x129: {  	s29 =	sadd.s32 $0x1, s29;
	s2 =	simm.s32 @!p1 $0x8600  }
0x12a: {  	[tilespmem:s2], [sflag:$0x2] =	stream.indirect.gather @!p1 [hbm4b:s1+s4], $0x80, s16, s4, $0xb8;
	[tilespmem:$0xD200] =	vst v63  }
0x12b: {  	p1 =	sne.s32 s29, $0x8  }
.Ltmp2:
0x12c: {  	_ = 	snop;
	(pc) =	sbr.rel @p1 .LBB2_2-.Ltmp2, $2  }
0x12d: {  	_ =	sdelay $0x2  }
0x12e: {  	p0 =	por !p0, !p0;
	s28 =	sadd.s32 $0x40, s28;
	s26 =	sadd.s32 $0x40, s26  }
0x12f: {  	[hbm4b:s8+s3] =	stream.linear.scatter [tilespmem:s23], [sflag:$0x1], $0x200, $0x38;
	[tilespmem:$0xD200] =	vst v63  }
0x130: {  	s25 =	sadd.s32 $0x1, s25  }
0x131: {  	[hbm4b:s9+s3] =	stream.linear.scatter [tilespmem:s24], [sflag:$0x1], $0x200, $0x38;
	[tilespmem:$0xD200] =	vst v63  }
0x132: {  	p0 =	sne.s32 s25, s10;
	_ =	swait.ge [sflag:s13], $0x200  }
.Ltmp3:
0x133: {  	[sflag:s13] =	ssyncset.done $0x0;
	(pc) =	sbr.rel @p0 .LBB2_1-.Ltmp3, $4  }
0x134: {  	[sflag:s13] =	ssyncadd.s32 $0xFFFFFE00  }
0x135: {  	_ =	swait.ge [sflag:s13], $0x200  }
0x136: {  	[sflag:s13] =	ssyncset.done $0x0  }
0x137: {  	[sflag:s13] =	ssyncadd.s32 $0xFFFFFE00  }
0x138: {  	_ =	sfence.sel $0x180000  }
0x139: {  	[bflag:$0x0] =	sbarrier.arrive $0xFFFF  }
0x13a: {  	_ =	strace $0x90000047  }
0x13b: {  	s0 =	stileid.u32;
	[bflag:$0x2] =	sbarrier.arrive $0xFFFF  }
0x13c: {  	p0 =	sne.s32 s0, $0x0;
	s0 =	rddreg [dreg:$0x7]  }
0x13d: {  	s0 =	sadd.s32 @!p0 $0x100000, s0  }
0x13e: {  	[sflag:s0] =	ssyncadd.tile.s32 @!p0 $0x1;
	_ =	shalt  }
.Lfunc_end2:
_tile_overlayer_lowered:
.L_overlay_start_2:
0x13f: {  	(tag) =	ssettag $0x2  }
0x140: {  	s0 =	rddreg [dreg:$0x0];
	s2 =	stileid.u32  }
0x141: {  	s1 =	rddreg [dreg:$0x1];
	p0 =	sne.s32 s2, $0x0  }
0x142: {  	s3 =	rddreg [dreg:$0x2];
	[bflag:$0x3] =	sbarrier.arrive $0xFFFF;
	s2 =	simm.s32 @!p0 $0x1C04  }
0x143: {  	[timem:s3], [sflag:s2] =	dma.local @!p0 [hbm:s0], s1  }
0x144: {  	s0 =	simm.s32 @!p0 $0x4  }
0x145: {  	_ =	swait.ge @!p0 [sflag:s0], s1  }
0x146: {  	s1 =	ssub.s32 @!p0 $0x0, s1;
	[sflag:s0] =	ssyncset.done @!p0 $0x0  }
0x147: {  	[sflag:s0] =	ssyncadd.s32 @!p0 s1  }
0x148: {  	[bflag:$0x3] =	sbarrier.arrive $0xFFFF  }
0x149: {  	_ =	shalt  }

</sc_bundles>
